<compile_context>
chip_gen: v7x
topology: tpu7x:2x2x1
jax: 0.10.2.dev20260603
libtpu: 0.0.44.dev20260713+nightly
codegen_flags: <defaults>
</compile_context>

<pallas_src>
import jax
import jax.numpy as jnp
from jax import lax
from jax.experimental import pallas as pl
from jax.experimental.pallas import tpu as pltpu
from jax.experimental.pallas import tpu_sc as plsc

N = 10000
E = 320000
D = 128
H = 128
G4 = 4 * H

NC = 2
NS = 16
NW = NC * NS
EPW = E // NW
CH = 80
NCH = EPW // CH
WPT = 2
MCH = WPT * NCH
NPAD = 10240
DSL = NPAD // NS
HR = N // NC
APAD = 5120
ASL = APAD // NS
TRASH = 5100
ZR = 64

TB = 1000
NB = N // TB

_f32 = jnp.float32


def _sc_mesh():
    return plsc.VectorSubcoreMesh(core_axis_name="c", subcore_axis_name="s")


def _deg_body(dst_hbm, deg_hbm, idx_v, ones_v, zer_v, deg_sh):
    cid = lax.axis_index("c")
    sid = lax.axis_index("s")
    w = cid * NS + sid

    def fill_ones(k, _):
        ones_v[pl.ds(k * 16, 16)] = jnp.full((16,), 1.0, _f32)
        return 0

    lax.fori_loop(0, CH // 16, fill_ones, 0)

    def fill_zero(k, _):
        zer_v[pl.ds(k * 16, 16)] = jnp.zeros((16,), _f32)
        return 0

    lax.fori_loop(0, DSL // 16, fill_zero, 0)
    pltpu.sync_copy(zer_v, deg_sh.at[pl.ds(sid * DSL, DSL)])
    pltpu.sync_copy(dst_hbm.at[w], idx_v)
    plsc.subcore_barrier()

    def chunk(j, _):
        pltpu.sync_copy(ones_v, deg_sh.at[idx_v.at[j]], add=True)
        return 0

    lax.fori_loop(0, NCH, chunk, 0)
    plsc.subcore_barrier()
    pltpu.sync_copy(deg_sh.at[pl.ds(sid * DSL, DSL)],
                    deg_hbm.at[cid, pl.ds(sid * DSL, DSL)])


def _deg_call(dst3):
    return pl.kernel(
        _deg_body,
        out_type=jax.ShapeDtypeStruct((NC, NPAD), _f32),
        mesh=_sc_mesh(),
        scratch_types=[
            pltpu.VMEM((NCH, CH), jnp.int32),
            pltpu.VMEM((CH,), _f32),
            pltpu.VMEM((DSL,), _f32),
            pltpu.VMEM_SHARED((NPAD,), _f32),
        ],
    )(dst3)


def _msg_body(xw_hbm, src_hbm, dst_hbm, acc_hbm,
              isrc_v, idst_v, rows_v, zrows_v, acc_sh, sem):
    cid = lax.axis_index("c")
    sid = lax.axis_index("s")

    def fill_zero(r, _):
        for k in range(D // 16):
            zrows_v[r, pl.ds(k * 16, 16)] = jnp.zeros((16,), _f32)
        return 0

    lax.fori_loop(0, ZR, fill_zero, 0)

    def zero_out(t, _):
        pltpu.sync_copy(zrows_v, acc_sh.at[pl.ds(sid * ASL + t * ZR, ZR)])
        return 0

    lax.fori_loop(0, ASL // ZR, zero_out, 0)

    for b in range(WPT):
        pltpu.sync_copy(src_hbm.at[WPT * sid + b], isrc_v.at[b])
        pltpu.sync_copy(dst_hbm.at[WPT * sid + b], idst_v.at[b])

    base = cid * HR
    for b in range(WPT):
        def remap(r, _):
            for k in range(CH // 16):
                v = idst_v[b, r, pl.ds(k * 16, 16)] - base
                ok = (v >= 0) & (v < HR)
                idst_v[b, r, pl.ds(k * 16, 16)] = jnp.where(
                    ok, v, jnp.full((16,), TRASH, jnp.int32))
            return 0

        lax.fori_loop(0, NCH, remap, 0)
    plsc.subcore_barrier()

    for b in range(WPT):
        def chunk(j, _):
            pltpu.async_copy(xw_hbm.at[isrc_v.at[b, j]], rows_v, sem).wait()
            pltpu.sync_copy(rows_v, acc_sh.at[idst_v.at[b, j]], add=True)
            return 0

        lax.fori_loop(0, NCH, chunk, 0)
    plsc.subcore_barrier()
    pltpu.sync_copy(acc_sh.at[pl.ds(sid * ASL, ASL)],
                    acc_hbm.at[cid, pl.ds(sid * ASL, ASL)])


def _msg_call(xwp, src3, dst3):
    return pl.kernel(
        _msg_body,
        out_type=jax.ShapeDtypeStruct((NC, APAD, D), _f32),
        mesh=_sc_mesh(),
        scratch_types=[
            pltpu.VMEM((WPT, NCH, CH), jnp.int32),
            pltpu.VMEM((WPT, NCH, CH), jnp.int32),
            pltpu.VMEM((CH, D), _f32),
            pltpu.VMEM((ZR, D), _f32),
            pltpu.VMEM_SHARED((APAD, D), _f32),
            pltpu.SemaphoreType.DMA,
        ],
    )(xwp, src3, dst3)


def _scale_body(bb_ref, w_ref, deg_ref, xwp_ref, dinv_ref):
    deg = deg_ref[0] + deg_ref[1] + 1.0
    dinv = lax.rsqrt(deg)
    xw = jnp.dot(bb_ref[...], w_ref[...], preferred_element_type=_f32)
    xwp_ref[...] = xw * dinv
    dinv_ref[...] = dinv


def _scale_call(bb, gcn_W, deg2):
    return pl.pallas_call(
        _scale_body,
        grid=(NB,),
        in_specs=[
            pl.BlockSpec((TB, D), lambda i: (i, 0)),
            pl.BlockSpec((D, H), lambda i: (0, 0)),
            pl.BlockSpec((NC, TB, 1), lambda i: (0, i, 0)),
        ],
        out_specs=[
            pl.BlockSpec((TB, H), lambda i: (i, 0)),
            pl.BlockSpec((TB, 1), lambda i: (i, 0)),
        ],
        out_shape=[
            jax.ShapeDtypeStruct((N, H), _f32),
            jax.ShapeDtypeStruct((N, 1), _f32),
        ],
    )(bb, gcn_W, deg2)


def _lstm_body(acc_ref, xwp_ref, dinv_ref, b_ref, wihT_ref, whhT_ref,
               bsum_ref, h0_ref, c0_ref, ys_ref, hN_ref, cN_ref, a_scr):
    i = pl.program_id(0)

    @pl.when(i == 0)
    def _():
        hN_ref[...] = h0_ref[...]
        cN_ref[...] = c0_ref[...]

    x = (acc_ref[0] + xwp_ref[...]) * dinv_ref[...] + b_ref[...]
    a_scr[...] = jnp.dot(x, wihT_ref[...], preferred_element_type=_f32) + bsum_ref[...]

    def step8(tt, hc):
        h, c = hc
        base = tt * 8
        a8 = a_scr[pl.ds(base, 8), :]
        hs = []
        for k in range(8):
            g = a8[k:k + 1, :] + jnp.dot(
                h, whhT_ref[...], preferred_element_type=_f32)
            s = jax.nn.sigmoid(g)
            ig = s[:, 0:H]
            fg = s[:, H:2 * H]
            gg = 2.0 * s[:, 2 * H:3 * H] - 1.0
            og = s[:, 3 * H:G4]
            c = fg * c + ig * gg
            h = og * jnp.tanh(c)
            hs.append(h)
        ys_ref[pl.ds(base, 8), :] = jnp.concatenate(hs, axis=0)
        return (h, c)

    h, c = lax.fori_loop(0, TB // 8, step8, (hN_ref[...], cN_ref[...]))
    hN_ref[...] = h
    cN_ref[...] = c


def _lstm_call(acc, xwp, dinv, b, wihT, whhT, bsum, h0, c0):
    nhb = NB // NC
    return pl.pallas_call(
        _lstm_body,
        grid=(NB,),
        in_specs=[
            pl.BlockSpec((1, TB, D), lambda i: (i // nhb, i % nhb, 0)),
            pl.BlockSpec((TB, D), lambda i: (i, 0)),
            pl.BlockSpec((TB, 1), lambda i: (i, 0)),
            pl.BlockSpec((1, D), lambda i: (0, 0)),
            pl.BlockSpec((D, G4), lambda i: (0, 0)),
            pl.BlockSpec((H, G4), lambda i: (0, 0)),
            pl.BlockSpec((1, G4), lambda i: (0, 0)),
            pl.BlockSpec((1, H), lambda i: (0, 0)),
            pl.BlockSpec((1, H), lambda i: (0, 0)),
        ],
        out_specs=[
            pl.BlockSpec((TB, H), lambda i: (i, 0)),
            pl.BlockSpec((1, H), lambda i: (0, 0)),
            pl.BlockSpec((1, H), lambda i: (0, 0)),
        ],
        out_shape=[
            jax.ShapeDtypeStruct((N, H), _f32),
            jax.ShapeDtypeStruct((1, H), _f32),
            jax.ShapeDtypeStruct((1, H), _f32),
        ],
        scratch_shapes=[pltpu.VMEM((TB, G4), _f32)],
    )(acc, xwp, dinv, b, wihT, whhT, bsum, h0, c0)


def kernel(basic_block, edge_index, h0, c0, gcn_W, gcn_b, W_ih, W_hh, b_ih, b_hh):
    src3 = edge_index[0].reshape(NW, NCH, CH)
    dst3 = edge_index[1].reshape(NW, NCH, CH)

    deg2 = _deg_call(dst3)
    deg2 = deg2[:, :N].reshape(NC, N, 1)

    xwp, dinv = _scale_call(basic_block, gcn_W, deg2)

    acc = _msg_call(xwp, src3, dst3)

    gate_scale = jnp.concatenate(
        [jnp.ones((2 * H,), _f32), jnp.full((H,), 2.0, _f32), jnp.ones((H,), _f32)])
    wihT = W_ih.T * gate_scale[None, :]
    whhT = W_hh.T * gate_scale[None, :]
    bsum = ((b_ih + b_hh) * gate_scale).reshape(1, G4)

    ys, hN, cN = _lstm_call(acc, xwp, dinv, gcn_b.reshape(1, D),
                            wihT, whhT, bsum, h0, c0)
    return (ys, hN, cN)

# --- scband reference (transcript-rebuilt; emitter-appended) ---
"""Pipeline reference for scband-encoder-31155692765375 (READ-ONLY COPY).

The authoritative reference and input builder live on the scoring server;
editing this copy changes nothing except your own understanding.
"""

import jax, jax.numpy as jnp
import numpy as np

N = 10000
E = 320000
D_IN = 128
H = 128


def setup_inputs(seed: int = 0):
    key = jax.random.key(seed)
    ks = jax.random.split(key, 8)
    basic_block = jax.random.normal(ks[0], (N, D_IN), dtype=jnp.float32)
    edge_index = jax.random.randint(ks[1], (2, E), 0, N, dtype=jnp.int32)
    h0 = jnp.zeros((1, H), dtype=jnp.float32)
    c0 = jnp.zeros((1, H), dtype=jnp.float32)
    s_g = 1.0 / np.sqrt(D_IN)
    gcn_W = jax.random.uniform(ks[2], (D_IN, H), minval=-s_g, maxval=s_g, dtype=jnp.float32)
    gcn_b = jax.random.uniform(ks[3], (H,), minval=-s_g, maxval=s_g, dtype=jnp.float32)
    s_l = 1.0 / np.sqrt(H)
    W_ih = jax.random.uniform(ks[4], (4 * H, H), minval=-s_l, maxval=s_l, dtype=jnp.float32)
    W_hh = jax.random.uniform(ks[5], (4 * H, H), minval=-s_l, maxval=s_l, dtype=jnp.float32)
    b_ih = jax.random.uniform(ks[6], (4 * H,), minval=-s_l, maxval=s_l, dtype=jnp.float32)
    b_hh = jax.random.uniform(ks[7], (4 * H,), minval=-s_l, maxval=s_l, dtype=jnp.float32)
    return {"basic_block": basic_block, "edge_index": edge_index, "h0": h0, "c0": c0,
            "gcn_W": gcn_W, "gcn_b": gcn_b, "W_ih": W_ih, "W_hh": W_hh, "b_ih": b_ih, "b_hh": b_hh}


def _gcn(x, edge_index, gcn_W, gcn_b):
    # add_self_loops in forward; GCNConv's gcn_norm (add_remaining_self_loops) adds nothing more
    n = x.shape[0]
    loop = jnp.arange(n, dtype=edge_index.dtype)
    src = jnp.concatenate([edge_index[0], loop])
    dst = jnp.concatenate([edge_index[1], loop])
    deg = jax.ops.segment_sum(jnp.ones_like(src, dtype=x.dtype), dst, num_segments=n)
    dinv = jnp.where(deg > 0, jax.lax.rsqrt(jnp.maximum(deg, 1e-12)), 0.0)
    norm = dinv[src] * dinv[dst]
    xw = x @ gcn_W
    msg = xw[src] * norm[:, None]
    out = jax.ops.segment_sum(msg, dst, num_segments=n)
    return out + gcn_b


def _lstm(x, h0, c0, W_ih, W_hh, b_ih, b_hh):
    # unbatched torch LSTM: x is (seq_len, input_size), hidden is (1, H)
    Hs = h0.shape[-1]

    def step(carry, x_t):
        h, c = carry
        gates = W_ih @ x_t + W_hh @ h + b_ih + b_hh
        i = jax.nn.sigmoid(gates[:Hs])
        f = jax.nn.sigmoid(gates[Hs:2 * Hs])
        g = jnp.tanh(gates[2 * Hs:3 * Hs])
        o = jax.nn.sigmoid(gates[3 * Hs:])
        c_new = f * c + i * g
        h_new = o * jnp.tanh(c_new)
        return (h_new, c_new), h_new

    (hN, cN), ys = jax.lax.scan(step, (h0[0], c0[0]), x)
    return ys, hN[None, :], cN[None, :]


def reference(basic_block, edge_index, h0, c0, gcn_W, gcn_b, W_ih, W_hh, b_ih, b_hh):
    x = _gcn(basic_block, edge_index, gcn_W, gcn_b)
    output, hN, cN = _lstm(x, h0, c0, W_ih, W_hh, b_ih, b_hh)
    return (output, hN, cN)

if __name__ == "__main__":
    import jax
    _d = setup_inputs()
    print(jax.jit(kernel)(*tuple(_d.values())))

</pallas_src>

<mosaic_0001>
#map = affine_map<(d0, d1) -> (0, 0, 0)>
#map1 = affine_map<(d0, d1) -> (0, 0)>
module attributes {stable_mosaic.version = 14 : i64} {
  func.func @_deg_body(%arg0: i32, %arg1: i32, %arg2: memref<32x125x80xi32, #tpu.memory_space<hbm>>, %arg3: memref<2x10240xf32, #tpu.memory_space<hbm>>, %arg4: memref<125x80xi32, #tpu.memory_space<vmem>>, %arg5: memref<80xf32, #tpu.memory_space<vmem>>, %arg6: memref<640xf32, #tpu.memory_space<vmem>>, %arg7: memref<10240xf32, #tpu.memory_space<vmem_shared>>) attributes {dimension_semantics = [#tpu.dimension_semantics<core_parallel>, #tpu.dimension_semantics<subcore_parallel>], iteration_bounds = array<i64: 2, 16>, scalar_prefetch = 0 : i64, scratch_operands = 4 : i64, tpu.core_type = #tpu.core_type<sc_vector_subcore>, window_params = [{transform_indices = #map}, {transform_indices = #map1}]} {
    %mul3A = arith.constant 16 : i32
    %mul3A_0 = arith.muli %arg0, %mul3A : i32
    %add3A = arith.addi %mul3A_0, %arg1 : i32
    %scan3A = arith.constant 0 : i32
    %scan3A_1 = arith.constant 0 : i32
    %scan3A_2 = arith.constant 5 : i32
    %scan3A_3 = arith.addi %scan3A_1, %scan3A_2 : i32
    %scan3A_4 = arith.constant 1 : i32
    %scan3A_5 = scf.for %scan3A_28 = %scan3A_1 to %scan3A_3 step %scan3A_4 iter_args(%scan3A_29 = %scan3A) -> (i32)  : i32 {
      %broadcast_in_dim3A = arith.constant 1.000000e+00 : f32
      %broadcast_in_dim3A_30 = vector.broadcast %broadcast_in_dim3A : f32 to vector<16xf32>
      %mul3A_31 = arith.constant 16 : i32
      %mul3A_32 = arith.muli %scan3A_28, %mul3A_31 : i32
      %swap3A = arith.index_cast %mul3A_32 : i32 to index
      %swap3A_33 = tpu.vector_load %arg5[%swap3A] {strides = array<i32>} : memref<80xf32, #tpu.memory_space<vmem>>, vector<16xf32>,
      %swap3A_34 = vector.shape_cast %swap3A_33 : vector<16xf32> to vector<16xf32>
      %swap3A_35 = vector.shape_cast %broadcast_in_dim3A_30 : vector<16xf32> to vector<16xf32>
      tpu.vector_store %arg5[%swap3A], %swap3A_35 {strides = array<i32>} : memref<80xf32, #tpu.memory_space<vmem>>, vector<16xf32>,
      %scan3A_36 = arith.constant 0 : i32
      scf.yield %scan3A_36 : i32
    }
    %scan3A_6 = arith.constant 5 : i32
    %scan3A_7 = arith.constant 0 : i32
    %scan3A_8 = arith.constant 0 : i32
    %scan3A_9 = arith.constant 40 : i32
    %scan3A_10 = arith.addi %scan3A_8, %scan3A_9 : i32
    %scan3A_11 = arith.constant 1 : i32
    %scan3A_12 = scf.for %scan3A_28 = %scan3A_8 to %scan3A_10 step %scan3A_11 iter_args(%scan3A_29 = %scan3A_7) -> (i32)  : i32 {
      %broadcast_in_dim3A = arith.constant 0.000000e+00 : f32
      %broadcast_in_dim3A_30 = vector.broadcast %broadcast_in_dim3A : f32 to vector<16xf32>
      %mul3A_31 = arith.constant 16 : i32
      %mul3A_32 = arith.muli %scan3A_28, %mul3A_31 : i32
      %swap3A = arith.index_cast %mul3A_32 : i32 to index
      %swap3A_33 = tpu.vector_load %arg6[%swap3A] {strides = array<i32>} : memref<640xf32, #tpu.memory_space<vmem>>, vector<16xf32>,
      %swap3A_34 = vector.shape_cast %swap3A_33 : vector<16xf32> to vector<16xf32>
      %swap3A_35 = vector.shape_cast %broadcast_in_dim3A_30 : vector<16xf32> to vector<16xf32>
      tpu.vector_store %arg6[%swap3A], %swap3A_35 {strides = array<i32>} : memref<640xf32, #tpu.memory_space<vmem>>, vector<16xf32>,
      %scan3A_36 = arith.constant 0 : i32
      scf.yield %scan3A_36 : i32
    }
    %scan3A_13 = arith.constant 40 : i32
    %mul3A_14 = arith.constant 640 : i32
    %mul3A_15 = arith.muli %arg1, %mul3A_14 : i32
    "tpu.region"() ({
      %run_scoped3A = tpu.sem_alloc : memref<!tpu.dma_semaphore, #tpu.memory_space<semaphore_mem>>
      %dma_start3A = tpu.memref_slice %arg7[%mul3A_15] : memref<10240xf32, #tpu.memory_space<vmem_shared>> -> memref<640xf32, #tpu.memory_space<vmem_shared>>
      %dma_start3A_28 = tpu.memref_slice %arg7[%mul3A_15] : memref<10240xf32, #tpu.memory_space<vmem_shared>> -> memref<640xf32, #tpu.memory_space<vmem_shared>>
      tpu.enqueue_dma source(%arg6 : memref<640xf32, #tpu.memory_space<vmem>>) target(%dma_start3A_28 : memref<640xf32, #tpu.memory_space<vmem_shared>>) target_semaphore(%run_scoped3A : memref<!tpu.dma_semaphore, #tpu.memory_space<semaphore_mem>>)
      %dma_wait3A = tpu.memref_slice %arg7[%mul3A_15] : memref<10240xf32, #tpu.memory_space<vmem_shared>> -> memref<640xf32, #tpu.memory_space<vmem_shared>>
      %dma_wait3A_29 = tpu.memref_slice %arg7[%mul3A_15] : memref<10240xf32, #tpu.memory_space<vmem_shared>> -> memref<640xf32, #tpu.memory_space<vmem_shared>>
      tpu.wait_dma2 semaphore(%run_scoped3A : memref<!tpu.dma_semaphore, #tpu.memory_space<semaphore_mem>>) src(%arg6 : memref<640xf32, #tpu.memory_space<vmem>>) dst(%dma_wait3A_29 : memref<640xf32, #tpu.memory_space<vmem_shared>>)
      tpu.yield
    }) : () -> ()
    "tpu.region"() ({
      %run_scoped3A = tpu.sem_alloc : memref<!tpu.dma_semaphore, #tpu.memory_space<semaphore_mem>>
      %dma_start3A = arith.constant 0 : i32
      %dma_start3A_28 = arith.constant 0 : i32
      %dma_start3A_29 = tpu.memref_slice %arg2[%add3A, %dma_start3A, %dma_start3A_28] : memref<32x125x80xi32, #tpu.memory_space<hbm>> -> memref<1x125x80xi32, #tpu.memory_space<hbm>>
      %dma_start3A_30 = tpu.memref_squeeze %dma_start3A_29 : memref<1x125x80xi32, #tpu.memory_space<hbm>> -> memref<125x80xi32, #tpu.memory_space<hbm>>
      %dma_start3A_31 = arith.constant 0 : i32
      %dma_start3A_32 = arith.constant 0 : i32
      %dma_start3A_33 = tpu.memref_slice %arg2[%add3A, %dma_start3A_31, %dma_start3A_32] : memref<32x125x80xi32, #tpu.memory_space<hbm>> -> memref<1x125x80xi32, #tpu.memory_space<hbm>>
      %dma_start3A_34 = tpu.memref_squeeze %dma_start3A_33 : memref<1x125x80xi32, #tpu.memory_space<hbm>> -> memref<125x80xi32, #tpu.memory_space<hbm>>
      tpu.enqueue_dma source(%dma_start3A_34 : memref<125x80xi32, #tpu.memory_space<hbm>>) target(%arg4 : memref<125x80xi32, #tpu.memory_space<vmem>>) target_semaphore(%run_scoped3A : memref<!tpu.dma_semaphore, #tpu.memory_space<semaphore_mem>>)
      %dma_wait3A = arith.constant 0 : i32
      %dma_wait3A_35 = arith.constant 0 : i32
      %dma_wait3A_36 = tpu.memref_slice %arg2[%add3A, %dma_wait3A, %dma_wait3A_35] : memref<32x125x80xi32, #tpu.memory_space<hbm>> -> memref<1x125x80xi32, #tpu.memory_space<hbm>>
      %dma_wait3A_37 = tpu.memref_squeeze %dma_wait3A_36 : memref<1x125x80xi32, #tpu.memory_space<hbm>> -> memref<125x80xi32, #tpu.memory_space<hbm>>
      %dma_wait3A_38 = arith.constant 0 : i32
      %dma_wait3A_39 = arith.constant 0 : i32
      %dma_wait3A_40 = tpu.memref_slice %arg2[%add3A, %dma_wait3A_38, %dma_wait3A_39] : memref<32x125x80xi32, #tpu.memory_space<hbm>> -> memref<1x125x80xi32, #tpu.memory_space<hbm>>
      %dma_wait3A_41 = tpu.memref_squeeze %dma_wait3A_40 : memref<1x125x80xi32, #tpu.memory_space<hbm>> -> memref<125x80xi32, #tpu.memory_space<hbm>>
      tpu.wait_dma2 semaphore(%run_scoped3A : memref<!tpu.dma_semaphore, #tpu.memory_space<semaphore_mem>>) src(%dma_wait3A_41 : memref<125x80xi32, #tpu.memory_space<hbm>>) dst(%arg4 : memref<125x80xi32, #tpu.memory_space<vmem>>)
      tpu.yield
    }) : () -> ()
    %barrier3A = arith.constant 0 : index
    tpu.barrier barrier_id(%barrier3A)
    %scan3A_16 = arith.constant 0 : i32
    %scan3A_17 = arith.constant 0 : i32
    %scan3A_18 = arith.constant 125 : i32
    %scan3A_19 = arith.addi %scan3A_17, %scan3A_18 : i32
    %scan3A_20 = arith.constant 1 : i32
    %scan3A_21 = scf.for %scan3A_28 = %scan3A_17 to %scan3A_19 step %scan3A_20 iter_args(%scan3A_29 = %scan3A_16) -> (i32)  : i32 {
      "tpu.region"() ({
        %run_scoped3A = tpu.sem_alloc : memref<!tpu.dma_semaphore, #tpu.memory_space<semaphore_mem>>
        %dma_start3A = arith.constant 0 : i32
        %dma_start3A_31 = tpu.memref_slice %arg4[%scan3A_28, %dma_start3A] : memref<125x80xi32, #tpu.memory_space<vmem>> -> memref<1x80xi32, #tpu.memory_space<vmem>>
        %dma_start3A_32 = tpu.memref_squeeze %dma_start3A_31 : memref<1x80xi32, #tpu.memory_space<vmem>> -> memref<80xi32, #tpu.memory_space<vmem>>
        %dma_start3A_33 = arith.constant 0 : i32
        %dma_start3A_34 = tpu.memref_slice %arg7[%dma_start3A_33] : memref<10240xf32, #tpu.memory_space<vmem_shared>> -> memref<10240xf32, #tpu.memory_space<vmem_shared>>
        tpu.enqueue_indirect_dma source(%arg5 : memref<80xf32, #tpu.memory_space<vmem>>) target(%dma_start3A_34 : memref<10240xf32, #tpu.memory_space<vmem_shared>>) offsets(%dma_start3A_32 : memref<80xi32, #tpu.memory_space<vmem>>) semaphore(%run_scoped3A : memref<!tpu.dma_semaphore, #tpu.memory_space<semaphore_mem>>) {add = true}
        %dma_wait3A = arith.constant 0 : i32
        %dma_wait3A_35 = tpu.memref_slice %arg4[%scan3A_28, %dma_wait3A] : memref<125x80xi32, #tpu.memory_space<vmem>> -> memref<1x80xi32, #tpu.memory_space<vmem>>
        %dma_wait3A_36 = tpu.memref_squeeze %dma_wait3A_35 : memref<1x80xi32, #tpu.memory_space<vmem>> -> memref<80xi32, #tpu.memory_space<vmem>>
        %dma_wait3A_37 = arith.constant 0 : i32
        %dma_wait3A_38 = tpu.memref_slice %arg7[%dma_wait3A_37] : memref<10240xf32, #tpu.memory_space<vmem_shared>> -> memref<10240xf32, #tpu.memory_space<vmem_shared>>
        tpu.wait_indirect_dma semaphore(%run_scoped3A : memref<!tpu.dma_semaphore, #tpu.memory_space<semaphore_mem>>) src(%arg5 : memref<80xf32, #tpu.memory_space<vmem>>) dst(%dma_wait3A_38 : memref<10240xf32, #tpu.memory_space<vmem_shared>>)
        tpu.yield
      }) : () -> ()
      %scan3A_30 = arith.constant 0 : i32
      scf.yield %scan3A_30 : i32
    }
    %scan3A_22 = arith.constant 125 : i32
    %barrier3A_23 = arith.constant 0 : index
    tpu.barrier barrier_id(%barrier3A_23)
    %mul3A_24 = arith.constant 640 : i32
    %mul3A_25 = arith.muli %arg1, %mul3A_24 : i32
    %mul3A_26 = arith.constant 640 : i32
    %mul3A_27 = arith.muli %arg1, %mul3A_26 : i32
    "tpu.region"() ({
      %run_scoped3A = tpu.sem_alloc : memref<!tpu.dma_semaphore, #tpu.memory_space<semaphore_mem>>
      %dma_start3A = tpu.memref_slice %arg3[%arg0, %mul3A_27] : memref<2x10240xf32, #tpu.memory_space<hbm>> -> memref<1x640xf32, #tpu.memory_space<hbm>>
      %dma_start3A_28 = tpu.memref_squeeze %dma_start3A : memref<1x640xf32, #tpu.memory_space<hbm>> -> memref<640xf32, #tpu.memory_space<hbm>>
      %dma_start3A_29 = tpu.memref_slice %arg7[%mul3A_25] : memref<10240xf32, #tpu.memory_space<vmem_shared>> -> memref<640xf32, #tpu.memory_space<vmem_shared>>
      tpu.enqueue_dma source(%dma_start3A_29 : memref<640xf32, #tpu.memory_space<vmem_shared>>) target(%dma_start3A_28 : memref<640xf32, #tpu.memory_space<hbm>>) target_semaphore(%run_scoped3A : memref<!tpu.dma_semaphore, #tpu.memory_space<semaphore_mem>>)
      %dma_wait3A = tpu.memref_slice %arg3[%arg0, %mul3A_27] : memref<2x10240xf32, #tpu.memory_space<hbm>> -> memref<1x640xf32, #tpu.memory_space<hbm>>
      %dma_wait3A_30 = tpu.memref_squeeze %dma_wait3A : memref<1x640xf32, #tpu.memory_space<hbm>> -> memref<640xf32, #tpu.memory_space<hbm>>
      %dma_wait3A_31 = tpu.memref_slice %arg7[%mul3A_25] : memref<10240xf32, #tpu.memory_space<vmem_shared>> -> memref<640xf32, #tpu.memory_space<vmem_shared>>
      tpu.wait_dma2 semaphore(%run_scoped3A : memref<!tpu.dma_semaphore, #tpu.memory_space<semaphore_mem>>) src(%dma_wait3A_31 : memref<640xf32, #tpu.memory_space<vmem_shared>>) dst(%dma_wait3A_30 : memref<640xf32, #tpu.memory_space<hbm>>)
      tpu.yield
    }) : () -> ()
    return
  }
}

#map = affine_map<(d0, d1) -> (0, 0)>
#map1 = affine_map<(d0, d1) -> (0, 0, 0)>
module attributes {stable_mosaic.version = 14 : i64} {
  func.func @_msg_body(%arg0: i32, %arg1: i32, %arg2: memref<10000x128xf32, #tpu.memory_space<hbm>>, %arg3: memref<32x125x80xi32, #tpu.memory_space<hbm>>, %arg4: memref<32x125x80xi32, #tpu.memory_space<hbm>>, %arg5: memref<2x5120x128xf32, #tpu.memory_space<hbm>>, %arg6: memref<2x125x80xi32, #tpu.memory_space<vmem>>, %arg7: memref<2x125x80xi32, #tpu.memory_space<vmem>>, %arg8: memref<80x128xf32, #tpu.memory_space<vmem>>, %arg9: memref<64x128xf32, #tpu.memory_space<vmem>>, %arg10: memref<5120x128xf32, #tpu.memory_space<vmem_shared>>, %arg11: memref<!tpu.dma_semaphore, #tpu.memory_space<semaphore_mem>>) attributes {dimension_semantics = [#tpu.dimension_semantics<core_parallel>, #tpu.dimension_semantics<subcore_parallel>], iteration_bounds = array<i64: 2, 16>, scalar_prefetch = 0 : i64, scratch_operands = 6 : i64, tpu.core_type = #tpu.core_type<sc_vector_subcore>, window_params = [{transform_indices = #map}, {transform_indices = #map1}, {transform_indices = #map1}, {transform_indices = #map1}]} {
    %scan3A = arith.constant 0 : i32
    %scan3A_0 = arith.constant 0 : i32
    %scan3A_1 = arith.constant 64 : i32
    %scan3A_2 = arith.addi %scan3A_0, %scan3A_1 : i32
    %scan3A_3 = arith.constant 1 : i32
    %scan3A_4 = scf.for %scan3A_65 = %scan3A_0 to %scan3A_2 step %scan3A_3 iter_args(%scan3A_66 = %scan3A) -> (i32)  : i32 {
      %broadcast_in_dim3A = arith.constant 0.000000e+00 : f32
      %broadcast_in_dim3A_67 = vector.broadcast %broadcast_in_dim3A : f32 to vector<16xf32>
      %swap3A = arith.index_cast %scan3A_65 : i32 to index
      %swap3A_68 = arith.constant 0 : index
      %swap3A_69 = tpu.vector_load %arg9[%swap3A, %swap3A_68] {strides = array<i32>} : memref<64x128xf32, #tpu.memory_space<vmem>>, vector<1x16xf32>,
      %swap3A_70 = vector.shape_cast %swap3A_69 : vector<1x16xf32> to vector<16xf32>
      %swap3A_71 = vector.shape_cast %broadcast_in_dim3A_67 : vector<16xf32> to vector<1x16xf32>
      tpu.vector_store %arg9[%swap3A, %swap3A_68], %swap3A_71 {strides = array<i32>} : memref<64x128xf32, #tpu.memory_space<vmem>>, vector<1x16xf32>,
      %broadcast_in_dim3A_72 = arith.constant 0.000000e+00 : f32
      %broadcast_in_dim3A_73 = vector.broadcast %broadcast_in_dim3A_72 : f32 to vector<16xf32>
      %swap3A_74 = arith.index_cast %scan3A_65 : i32 to index
      %swap3A_75 = arith.constant 16 : index
      %swap3A_76 = tpu.vector_load %arg9[%swap3A_74, %swap3A_75] {strides = array<i32>} : memref<64x128xf32, #tpu.memory_space<vmem>>, vector<1x16xf32>,
      %swap3A_77 = vector.shape_cast %swap3A_76 : vector<1x16xf32> to vector<16xf32>
      %swap3A_78 = vector.shape_cast %broadcast_in_dim3A_73 : vector<16xf32> to vector<1x16xf32>
      tpu.vector_store %arg9[%swap3A_74, %swap3A_75], %swap3A_78 {strides = array<i32>} : memref<64x128xf32, #tpu.memory_space<vmem>>, vector<1x16xf32>,
      %broadcast_in_dim3A_79 = arith.constant 0.000000e+00 : f32
      %broadcast_in_dim3A_80 = vector.broadcast %broadcast_in_dim3A_79 : f32 to vector<16xf32>
      %swap3A_81 = arith.index_cast %scan3A_65 : i32 to index
      %swap3A_82 = arith.constant 32 : index
      %swap3A_83 = tpu.vector_load %arg9[%swap3A_81, %swap3A_82] {strides = array<i32>} : memref<64x128xf32, #tpu.memory_space<vmem>>, vector<1x16xf32>,
      %swap3A_84 = vector.shape_cast %swap3A_83 : vector<1x16xf32> to vector<16xf32>
      %swap3A_85 = vector.shape_cast %broadcast_in_dim3A_80 : vector<16xf32> to vector<1x16xf32>
      tpu.vector_store %arg9[%swap3A_81, %swap3A_82], %swap3A_85 {strides = array<i32>} : memref<64x128xf32, #tpu.memory_space<vmem>>, vector<1x16xf32>,
      %broadcast_in_dim3A_86 = arith.constant 0.000000e+00 : f32
      %broadcast_in_dim3A_87 = vector.broadcast %broadcast_in_dim3A_86 : f32 to vector<16xf32>
      %swap3A_88 = arith.index_cast %scan3A_65 : i32 to index
      %swap3A_89 = arith.constant 48 : index
      %swap3A_90 = tpu.vector_load %arg9[%swap3A_88, %swap3A_89] {strides = array<i32>} : memref<64x128xf32, #tpu.memory_space<vmem>>, vector<1x16xf32>,
      %swap3A_91 = vector.shape_cast %swap3A_90 : vector<1x16xf32> to vector<16xf32>
      %swap3A_92 = vector.shape_cast %broadcast_in_dim3A_87 : vector<16xf32> to vector<1x16xf32>
      tpu.vector_store %arg9[%swap3A_88, %swap3A_89], %swap3A_92 {strides = array<i32>} : memref<64x128xf32, #tpu.memory_space<vmem>>, vector<1x16xf32>,
      %broadcast_in_dim3A_93 = arith.constant 0.000000e+00 : f32
      %broadcast_in_dim3A_94 = vector.broadcast %broadcast_in_dim3A_93 : f32 to vector<16xf32>
      %swap3A_95 = arith.index_cast %scan3A_65 : i32 to index
      %swap3A_96 = arith.constant 64 : index
      %swap3A_97 = tpu.vector_load %arg9[%swap3A_95, %swap3A_96] {strides = array<i32>} : memref<64x128xf32, #tpu.memory_space<vmem>>, vector<1x16xf32>,
      %swap3A_98 = vector.shape_cast %swap3A_97 : vector<1x16xf32> to vector<16xf32>
      %swap3A_99 = vector.shape_cast %broadcast_in_dim3A_94 : vector<16xf32> to vector<1x16xf32>
      tpu.vector_store %arg9[%swap3A_95, %swap3A_96], %swap3A_99 {strides = array<i32>} : memref<64x128xf32, #tpu.memory_space<vmem>>, vector<1x16xf32>,
      %broadcast_in_dim3A_100 = arith.constant 0.000000e+00 : f32
      %broadcast_in_dim3A_101 = vector.broadcast %broadcast_in_dim3A_100 : f32 to vector<16xf32>
      %swap3A_102 = arith.index_cast %scan3A_65 : i32 to index
      %swap3A_103 = arith.constant 80 : index
      %swap3A_104 = tpu.vector_load %arg9[%swap3A_102, %swap3A_103] {strides = array<i32>} : memref<64x128xf32, #tpu.memory_space<vmem>>, vector<1x16xf32>,
      %swap3A_105 = vector.shape_cast %swap3A_104 : vector<1x16xf32> to vector<16xf32>
      %swap3A_106 = vector.shape_cast %broadcast_in_dim3A_101 : vector<16xf32> to vector<1x16xf32>
      tpu.vector_store %arg9[%swap3A_102, %swap3A_103], %swap3A_106 {strides = array<i32>} : memref<64x128xf32, #tpu.memory_space<vmem>>, vector<1x16xf32>,
      %broadcast_in_dim3A_107 = arith.constant 0.000000e+00 : f32
      %broadcast_in_dim3A_108 = vector.broadcast %broadcast_in_dim3A_107 : f32 to vector<16xf32>
      %swap3A_109 = arith.index_cast %scan3A_65 : i32 to index
      %swap3A_110 = arith.constant 96 : index
      %swap3A_111 = tpu.vector_load %arg9[%swap3A_109, %swap3A_110] {strides = array<i32>} : memref<64x128xf32, #tpu.memory_space<vmem>>, vector<1x16xf32>,
      %swap3A_112 = vector.shape_cast %swap3A_111 : vector<1x16xf32> to vector<16xf32>
      %swap3A_113 = vector.shape_cast %broadcast_in_dim3A_108 : vector<16xf32> to vector<1x16xf32>
      tpu.vector_store %arg9[%swap3A_109, %swap3A_110], %swap3A_113 {strides = array<i32>} : memref<64x128xf32, #tpu.memory_space<vmem>>, vector<1x16xf32>,
      %broadcast_in_dim3A_114 = arith.constant 0.000000e+00 : f32
      %broadcast_in_dim3A_115 = vector.broadcast %broadcast_in_dim3A_114 : f32 to vector<16xf32>
      %swap3A_116 = arith.index_cast %scan3A_65 : i32 to index
      %swap3A_117 = arith.constant 112 : index
      %swap3A_118 = tpu.vector_load %arg9[%swap3A_116, %swap3A_117] {strides = array<i32>} : memref<64x128xf32, #tpu.memory_space<vmem>>, vector<1x16xf32>,
      %swap3A_119 = vector.shape_cast %swap3A_118 : vector<1x16xf32> to vector<16xf32>
      %swap3A_120 = vector.shape_cast %broadcast_in_dim3A_115 : vector<16xf32> to vector<1x16xf32>
      tpu.vector_store %arg9[%swap3A_116, %swap3A_117], %swap3A_120 {strides = array<i32>} : memref<64x128xf32, #tpu.memory_space<vmem>>, vector<1x16xf32>,
      %scan3A_121 = arith.constant 0 : i32
      scf.yield %scan3A_121 : i32
    }
    %scan3A_5 = arith.constant 64 : i32
    %scan3A_6 = arith.constant 0 : i32
    %scan3A_7 = arith.constant 0 : i32
    %scan3A_8 = arith.constant 5 : i32
    %scan3A_9 = arith.addi %scan3A_7, %scan3A_8 : i32
    %scan3A_10 = arith.constant 1 : i32
    %scan3A_11 = scf.for %scan3A_65 = %scan3A_7 to %scan3A_9 step %scan3A_10 iter_args(%scan3A_66 = %scan3A_6) -> (i32)  : i32 {
      %mul3A_67 = arith.constant 320 : i32
      %mul3A_68 = arith.muli %arg1, %mul3A_67 : i32
      %mul3A_69 = arith.constant 64 : i32
      %mul3A_70 = arith.muli %scan3A_65, %mul3A_69 : i32
      %add3A_71 = arith.addi %mul3A_68, %mul3A_70 : i32
      "tpu.region"() ({
        %run_scoped3A_73 = tpu.sem_alloc : memref<!tpu.dma_semaphore, #tpu.memory_space<semaphore_mem>>
        %dma_start3A = arith.constant 0 : i32
        %dma_start3A_74 = tpu.memref_slice %arg10[%add3A_71, %dma_start3A] : memref<5120x128xf32, #tpu.memory_space<vmem_shared>> -> memref<64x128xf32, #tpu.memory_space<vmem_shared>>
        %dma_start3A_75 = arith.constant 0 : i32
        %dma_start3A_76 = tpu.memref_slice %arg10[%add3A_71, %dma_start3A_75] : memref<5120x128xf32, #tpu.memory_space<vmem_shared>> -> memref<64x128xf32, #tpu.memory_space<vmem_shared>>
        tpu.enqueue_dma source(%arg9 : memref<64x128xf32, #tpu.memory_space<vmem>>) target(%dma_start3A_76 : memref<64x128xf32, #tpu.memory_space<vmem_shared>>) target_semaphore(%run_scoped3A_73 : memref<!tpu.dma_semaphore, #tpu.memory_space<semaphore_mem>>)
        %dma_wait3A = arith.constant 0 : i32
        %dma_wait3A_77 = tpu.memref_slice %arg10[%add3A_71, %dma_wait3A] : memref<5120x128xf32, #tpu.memory_space<vmem_shared>> -> memref<64x128xf32, #tpu.memory_space<vmem_shared>>
        %dma_wait3A_78 = arith.constant 0 : i32
        %dma_wait3A_79 = tpu.memref_slice %arg10[%add3A_71, %dma_wait3A_78] : memref<5120x128xf32, #tpu.memory_space<vmem_shared>> -> memref<64x128xf32, #tpu.memory_space<vmem_shared>>
        tpu.wait_dma2 semaphore(%run_scoped3A_73 : memref<!tpu.dma_semaphore, #tpu.memory_space<semaphore_mem>>) src(%arg9 : memref<64x128xf32, #tpu.memory_space<vmem>>) dst(%dma_wait3A_79 : memref<64x128xf32, #tpu.memory_space<vmem_shared>>)
        tpu.yield
      }) : () -> ()
      %scan3A_72 = arith.constant 0 : i32
      scf.yield %scan3A_72 : i32
    }
    %scan3A_12 = arith.constant 5 : i32
    %mul3A = arith.constant 2 : i32
    %mul3A_13 = arith.muli %mul3A, %arg1 : i32
    %add3A = arith.constant 0 : i32
    %add3A_14 = arith.addi %mul3A_13, %add3A : i32
    %run_scoped3A = arith.constant 0 : i32
    "tpu.region"() ({
      %run_scoped3A_65 = tpu.sem_alloc : memref<!tpu.dma_semaphore, #tpu.memory_space<semaphore_mem>>
      %dma_start3A = arith.constant 0 : i32
      %dma_start3A_66 = arith.constant 0 : i32
      %dma_start3A_67 = tpu.memref_slice %arg6[%run_scoped3A, %dma_start3A, %dma_start3A_66] : memref<2x125x80xi32, #tpu.memory_space<vmem>> -> memref<1x125x80xi32, #tpu.memory_space<vmem>>
      %dma_start3A_68 = tpu.memref_squeeze %dma_start3A_67 : memref<1x125x80xi32, #tpu.memory_space<vmem>> -> memref<125x80xi32, #tpu.memory_space<vmem>>
      %dma_start3A_69 = arith.constant 0 : i32
      %dma_start3A_70 = arith.constant 0 : i32
      %dma_start3A_71 = tpu.memref_slice %arg3[%add3A_14, %dma_start3A_69, %dma_start3A_70] : memref<32x125x80xi32, #tpu.memory_space<hbm>> -> memref<1x125x80xi32, #tpu.memory_space<hbm>>
      %dma_start3A_72 = tpu.memref_squeeze %dma_start3A_71 : memref<1x125x80xi32, #tpu.memory_space<hbm>> -> memref<125x80xi32, #tpu.memory_space<hbm>>
      %dma_start3A_73 = arith.constant 0 : i32
      %dma_start3A_74 = arith.constant 0 : i32
      %dma_start3A_75 = tpu.memref_slice %arg6[%run_scoped3A, %dma_start3A_73, %dma_start3A_74] : memref<2x125x80xi32, #tpu.memory_space<vmem>> -> memref<1x125x80xi32, #tpu.memory_space<vmem>>
      %dma_start3A_76 = tpu.memref_squeeze %dma_start3A_75 : memref<1x125x80xi32, #tpu.memory_space<vmem>> -> memref<125x80xi32, #tpu.memory_space<vmem>>
      %dma_start3A_77 = arith.constant 0 : i32
      %dma_start3A_78 = arith.constant 0 : i32
      %dma_start3A_79 = tpu.memref_slice %arg3[%add3A_14, %dma_start3A_77, %dma_start3A_78] : memref<32x125x80xi32, #tpu.memory_space<hbm>> -> memref<1x125x80xi32, #tpu.memory_space<hbm>>
      %dma_start3A_80 = tpu.memref_squeeze %dma_start3A_79 : memref<1x125x80xi32, #tpu.memory_space<hbm>> -> memref<125x80xi32, #tpu.memory_space<hbm>>
      tpu.enqueue_dma source(%dma_start3A_80 : memref<125x80xi32, #tpu.memory_space<hbm>>) target(%dma_start3A_76 : memref<125x80xi32, #tpu.memory_space<vmem>>) target_semaphore(%run_scoped3A_65 : memref<!tpu.dma_semaphore, #tpu.memory_space<semaphore_mem>>)
      %dma_wait3A = arith.constant 0 : i32
      %dma_wait3A_81 = arith.constant 0 : i32
      %dma_wait3A_82 = tpu.memref_slice %arg6[%run_scoped3A, %dma_wait3A, %dma_wait3A_81] : memref<2x125x80xi32, #tpu.memory_space<vmem>> -> memref<1x125x80xi32, #tpu.memory_space<vmem>>
      %dma_wait3A_83 = tpu.memref_squeeze %dma_wait3A_82 : memref<1x125x80xi32, #tpu.memory_space<vmem>> -> memref<125x80xi32, #tpu.memory_space<vmem>>
      %dma_wait3A_84 = arith.constant 0 : i32
      %dma_wait3A_85 = arith.constant 0 : i32
      %dma_wait3A_86 = tpu.memref_slice %arg3[%add3A_14, %dma_wait3A_84, %dma_wait3A_85] : memref<32x125x80xi32, #tpu.memory_space<hbm>> -> memref<1x125x80xi32, #tpu.memory_space<hbm>>
      %dma_wait3A_87 = tpu.memref_squeeze %dma_wait3A_86 : memref<1x125x80xi32, #tpu.memory_space<hbm>> -> memref<125x80xi32, #tpu.memory_space<hbm>>
      %dma_wait3A_88 = arith.constant 0 : i32
      %dma_wait3A_89 = arith.constant 0 : i32
      %dma_wait3A_90 = tpu.memref_slice %arg6[%run_scoped3A, %dma_wait3A_88, %dma_wait3A_89] : memref<2x125x80xi32, #tpu.memory_space<vmem>> -> memref<1x125x80xi32, #tpu.memory_space<vmem>>
      %dma_wait3A_91 = tpu.memref_squeeze %dma_wait3A_90 : memref<1x125x80xi32, #tpu.memory_space<vmem>> -> memref<125x80xi32, #tpu.memory_space<vmem>>
      %dma_wait3A_92 = arith.constant 0 : i32
      %dma_wait3A_93 = arith.constant 0 : i32
      %dma_wait3A_94 = tpu.memref_slice %arg3[%add3A_14, %dma_wait3A_92, %dma_wait3A_93] : memref<32x125x80xi32, #tpu.memory_space<hbm>> -> memref<1x125x80xi32, #tpu.memory_space<hbm>>
      %dma_wait3A_95 = tpu.memref_squeeze %dma_wait3A_94 : memref<1x125x80xi32, #tpu.memory_space<hbm>> -> memref<125x80xi32, #tpu.memory_space<hbm>>
      tpu.wait_dma2 semaphore(%run_scoped3A_65 : memref<!tpu.dma_semaphore, #tpu.memory_space<semaphore_mem>>) src(%dma_wait3A_95 : memref<125x80xi32, #tpu.memory_space<hbm>>) dst(%dma_wait3A_91 : memref<125x80xi32, #tpu.memory_space<vmem>>)
      tpu.yield
    }) : () -> ()
    %mul3A_15 = arith.constant 2 : i32
    %mul3A_16 = arith.muli %mul3A_15, %arg1 : i32
    %add3A_17 = arith.constant 0 : i32
    %add3A_18 = arith.addi %mul3A_16, %add3A_17 : i32
    %run_scoped3A_19 = arith.constant 0 : i32
    "tpu.region"() ({
      %run_scoped3A_65 = tpu.sem_alloc : memref<!tpu.dma_semaphore, #tpu.memory_space<semaphore_mem>>
      %dma_start3A = arith.constant 0 : i32
      %dma_start3A_66 = arith.constant 0 : i32
      %dma_start3A_67 = tpu.memref_slice %arg7[%run_scoped3A_19, %dma_start3A, %dma_start3A_66] : memref<2x125x80xi32, #tpu.memory_space<vmem>> -> memref<1x125x80xi32, #tpu.memory_space<vmem>>
      %dma_start3A_68 = tpu.memref_squeeze %dma_start3A_67 : memref<1x125x80xi32, #tpu.memory_space<vmem>> -> memref<125x80xi32, #tpu.memory_space<vmem>>
      %dma_start3A_69 = arith.constant 0 : i32
      %dma_start3A_70 = arith.constant 0 : i32
      %dma_start3A_71 = tpu.memref_slice %arg4[%add3A_18, %dma_start3A_69, %dma_start3A_70] : memref<32x125x80xi32, #tpu.memory_space<hbm>> -> memref<1x125x80xi32, #tpu.memory_space<hbm>>
      %dma_start3A_72 = tpu.memref_squeeze %dma_start3A_71 : memref<1x125x80xi32, #tpu.memory_space<hbm>> -> memref<125x80xi32, #tpu.memory_space<hbm>>
      %dma_start3A_73 = arith.constant 0 : i32
      %dma_start3A_74 = arith.constant 0 : i32
      %dma_start3A_75 = tpu.memref_slice %arg7[%run_scoped3A_19, %dma_start3A_73, %dma_start3A_74] : memref<2x125x80xi32, #tpu.memory_space<vmem>> -> memref<1x125x80xi32, #tpu.memory_space<vmem>>
      %dma_start3A_76 = tpu.memref_squeeze %dma_start3A_75 : memref<1x125x80xi32, #tpu.memory_space<vmem>> -> memref<125x80xi32, #tpu.memory_space<vmem>>
      %dma_start3A_77 = arith.constant 0 : i32
      %dma_start3A_78 = arith.constant 0 : i32
      %dma_start3A_79 = tpu.memref_slice %arg4[%add3A_18, %dma_start3A_77, %dma_start3A_78] : memref<32x125x80xi32, #tpu.memory_space<hbm>> -> memref<1x125x80xi32, #tpu.memory_space<hbm>>
      %dma_start3A_80 = tpu.memref_squeeze %dma_start3A_79 : memref<1x125x80xi32, #tpu.memory_space<hbm>> -> memref<125x80xi32, #tpu.memory_space<hbm>>
      tpu.enqueue_dma source(%dma_start3A_80 : memref<125x80xi32, #tpu.memory_space<hbm>>) target(%dma_start3A_76 : memref<125x80xi32, #tpu.memory_space<vmem>>) target_semaphore(%run_scoped3A_65 : memref<!tpu.dma_semaphore, #tpu.memory_space<semaphore_mem>>)
      %dma_wait3A = arith.constant 0 : i32
      %dma_wait3A_81 = arith.constant 0 : i32
      %dma_wait3A_82 = tpu.memref_slice %arg7[%run_scoped3A_19, %dma_wait3A, %dma_wait3A_81] : memref<2x125x80xi32, #tpu.memory_space<vmem>> -> memref<1x125x80xi32, #tpu.memory_space<vmem>>
      %dma_wait3A_83 = tpu.memref_squeeze %dma_wait3A_82 : memref<1x125x80xi32, #tpu.memory_space<vmem>> -> memref<125x80xi32, #tpu.memory_space<vmem>>
      %dma_wait3A_84 = arith.constant 0 : i32
      %dma_wait3A_85 = arith.constant 0 : i32
      %dma_wait3A_86 = tpu.memref_slice %arg4[%add3A_18, %dma_wait3A_84, %dma_wait3A_85] : memref<32x125x80xi32, #tpu.memory_space<hbm>> -> memref<1x125x80xi32, #tpu.memory_space<hbm>>
      %dma_wait3A_87 = tpu.memref_squeeze %dma_wait3A_86 : memref<1x125x80xi32, #tpu.memory_space<hbm>> -> memref<125x80xi32, #tpu.memory_space<hbm>>
      %dma_wait3A_88 = arith.constant 0 : i32
      %dma_wait3A_89 = arith.constant 0 : i32
      %dma_wait3A_90 = tpu.memref_slice %arg7[%run_scoped3A_19, %dma_wait3A_88, %dma_wait3A_89] : memref<2x125x80xi32, #tpu.memory_space<vmem>> -> memref<1x125x80xi32, #tpu.memory_space<vmem>>
      %dma_wait3A_91 = tpu.memref_squeeze %dma_wait3A_90 : memref<1x125x80xi32, #tpu.memory_space<vmem>> -> memref<125x80xi32, #tpu.memory_space<vmem>>
      %dma_wait3A_92 = arith.constant 0 : i32
      %dma_wait3A_93 = arith.constant 0 : i32
      %dma_wait3A_94 = tpu.memref_slice %arg4[%add3A_18, %dma_wait3A_92, %dma_wait3A_93] : memref<32x125x80xi32, #tpu.memory_space<hbm>> -> memref<1x125x80xi32, #tpu.memory_space<hbm>>
      %dma_wait3A_95 = tpu.memref_squeeze %dma_wait3A_94 : memref<1x125x80xi32, #tpu.memory_space<hbm>> -> memref<125x80xi32, #tpu.memory_space<hbm>>
      tpu.wait_dma2 semaphore(%run_scoped3A_65 : memref<!tpu.dma_semaphore, #tpu.memory_space<semaphore_mem>>) src(%dma_wait3A_95 : memref<125x80xi32, #tpu.memory_space<hbm>>) dst(%dma_wait3A_91 : memref<125x80xi32, #tpu.memory_space<vmem>>)
      tpu.yield
    }) : () -> ()
    %mul3A_20 = arith.constant 2 : i32
    %mul3A_21 = arith.muli %mul3A_20, %arg1 : i32
    %add3A_22 = arith.constant 1 : i32
    %add3A_23 = arith.addi %mul3A_21, %add3A_22 : i32
    %run_scoped3A_24 = arith.constant 1 : i32
    "tpu.region"() ({
      %run_scoped3A_65 = tpu.sem_alloc : memref<!tpu.dma_semaphore, #tpu.memory_space<semaphore_mem>>
      %dma_start3A = arith.constant 0 : i32
      %dma_start3A_66 = arith.constant 0 : i32
      %dma_start3A_67 = tpu.memref_slice %arg6[%run_scoped3A_24, %dma_start3A, %dma_start3A_66] : memref<2x125x80xi32, #tpu.memory_space<vmem>> -> memref<1x125x80xi32, #tpu.memory_space<vmem>>
      %dma_start3A_68 = tpu.memref_squeeze %dma_start3A_67 : memref<1x125x80xi32, #tpu.memory_space<vmem>> -> memref<125x80xi32, #tpu.memory_space<vmem>>
      %dma_start3A_69 = arith.constant 0 : i32
      %dma_start3A_70 = arith.constant 0 : i32
      %dma_start3A_71 = tpu.memref_slice %arg3[%add3A_23, %dma_start3A_69, %dma_start3A_70] : memref<32x125x80xi32, #tpu.memory_space<hbm>> -> memref<1x125x80xi32, #tpu.memory_space<hbm>>
      %dma_start3A_72 = tpu.memref_squeeze %dma_start3A_71 : memref<1x125x80xi32, #tpu.memory_space<hbm>> -> memref<125x80xi32, #tpu.memory_space<hbm>>
      %dma_start3A_73 = arith.constant 0 : i32
      %dma_start3A_74 = arith.constant 0 : i32
      %dma_start3A_75 = tpu.memref_slice %arg6[%run_scoped3A_24, %dma_start3A_73, %dma_start3A_74] : memref<2x125x80xi32, #tpu.memory_space<vmem>> -> memref<1x125x80xi32, #tpu.memory_space<vmem>>
      %dma_start3A_76 = tpu.memref_squeeze %dma_start3A_75 : memref<1x125x80xi32, #tpu.memory_space<vmem>> -> memref<125x80xi32, #tpu.memory_space<vmem>>
      %dma_start3A_77 = arith.constant 0 : i32
      %dma_start3A_78 = arith.constant 0 : i32
      %dma_start3A_79 = tpu.memref_slice %arg3[%add3A_23, %dma_start3A_77, %dma_start3A_78] : memref<32x125x80xi32, #tpu.memory_space<hbm>> -> memref<1x125x80xi32, #tpu.memory_space<hbm>>
      %dma_start3A_80 = tpu.memref_squeeze %dma_start3A_79 : memref<1x125x80xi32, #tpu.memory_space<hbm>> -> memref<125x80xi32, #tpu.memory_space<hbm>>
      tpu.enqueue_dma source(%dma_start3A_80 : memref<125x80xi32, #tpu.memory_space<hbm>>) target(%dma_start3A_76 : memref<125x80xi32, #tpu.memory_space<vmem>>) target_semaphore(%run_scoped3A_65 : memref<!tpu.dma_semaphore, #tpu.memory_space<semaphore_mem>>)
      %dma_wait3A = arith.constant 0 : i32
      %dma_wait3A_81 = arith.constant 0 : i32
      %dma_wait3A_82 = tpu.memref_slice %arg6[%run_scoped3A_24, %dma_wait3A, %dma_wait3A_81] : memref<2x125x80xi32, #tpu.memory_space<vmem>> -> memref<1x125x80xi32, #tpu.memory_space<vmem>>
      %dma_wait3A_83 = tpu.memref_squeeze %dma_wait3A_82 : memref<1x125x80xi32, #tpu.memory_space<vmem>> -> memref<125x80xi32, #tpu.memory_space<vmem>>
      %dma_wait3A_84 = arith.constant 0 : i32
      %dma_wait3A_85 = arith.constant 0 : i32
      %dma_wait3A_86 = tpu.memref_slice %arg3[%add3A_23, %dma_wait3A_84, %dma_wait3A_85] : memref<32x125x80xi32, #tpu.memory_space<hbm>> -> memref<1x125x80xi32, #tpu.memory_space<hbm>>
      %dma_wait3A_87 = tpu.memref_squeeze %dma_wait3A_86 : memref<1x125x80xi32, #tpu.memory_space<hbm>> -> memref<125x80xi32, #tpu.memory_space<hbm>>
      %dma_wait3A_88 = arith.constant 0 : i32
      %dma_wait3A_89 = arith.constant 0 : i32
      %dma_wait3A_90 = tpu.memref_slice %arg6[%run_scoped3A_24, %dma_wait3A_88, %dma_wait3A_89] : memref<2x125x80xi32, #tpu.memory_space<vmem>> -> memref<1x125x80xi32, #tpu.memory_space<vmem>>
      %dma_wait3A_91 = tpu.memref_squeeze %dma_wait3A_90 : memref<1x125x80xi32, #tpu.memory_space<vmem>> -> memref<125x80xi32, #tpu.memory_space<vmem>>
      %dma_wait3A_92 = arith.constant 0 : i32
      %dma_wait3A_93 = arith.constant 0 : i32
      %dma_wait3A_94 = tpu.memref_slice %arg3[%add3A_23, %dma_wait3A_92, %dma_wait3A_93] : memref<32x125x80xi32, #tpu.memory_space<hbm>> -> memref<1x125x80xi32, #tpu.memory_space<hbm>>
      %dma_wait3A_95 = tpu.memref_squeeze %dma_wait3A_94 : memref<1x125x80xi32, #tpu.memory_space<hbm>> -> memref<125x80xi32, #tpu.memory_space<hbm>>
      tpu.wait_dma2 semaphore(%run_scoped3A_65 : memref<!tpu.dma_semaphore, #tpu.memory_space<semaphore_mem>>) src(%dma_wait3A_95 : memref<125x80xi32, #tpu.memory_space<hbm>>) dst(%dma_wait3A_91 : memref<125x80xi32, #tpu.memory_space<vmem>>)
      tpu.yield
    }) : () -> ()
    %mul3A_25 = arith.constant 2 : i32
    %mul3A_26 = arith.muli %mul3A_25, %arg1 : i32
    %add3A_27 = arith.constant 1 : i32
    %add3A_28 = arith.addi %mul3A_26, %add3A_27 : i32
    %run_scoped3A_29 = arith.constant 1 : i32
    "tpu.region"() ({
      %run_scoped3A_65 = tpu.sem_alloc : memref<!tpu.dma_semaphore, #tpu.memory_space<semaphore_mem>>
      %dma_start3A = arith.constant 0 : i32
      %dma_start3A_66 = arith.constant 0 : i32
      %dma_start3A_67 = tpu.memref_slice %arg7[%run_scoped3A_29, %dma_start3A, %dma_start3A_66] : memref<2x125x80xi32, #tpu.memory_space<vmem>> -> memref<1x125x80xi32, #tpu.memory_space<vmem>>
      %dma_start3A_68 = tpu.memref_squeeze %dma_start3A_67 : memref<1x125x80xi32, #tpu.memory_space<vmem>> -> memref<125x80xi32, #tpu.memory_space<vmem>>
      %dma_start3A_69 = arith.constant 0 : i32
      %dma_start3A_70 = arith.constant 0 : i32
      %dma_start3A_71 = tpu.memref_slice %arg4[%add3A_28, %dma_start3A_69, %dma_start3A_70] : memref<32x125x80xi32, #tpu.memory_space<hbm>> -> memref<1x125x80xi32, #tpu.memory_space<hbm>>
      %dma_start3A_72 = tpu.memref_squeeze %dma_start3A_71 : memref<1x125x80xi32, #tpu.memory_space<hbm>> -> memref<125x80xi32, #tpu.memory_space<hbm>>
      %dma_start3A_73 = arith.constant 0 : i32
      %dma_start3A_74 = arith.constant 0 : i32
      %dma_start3A_75 = tpu.memref_slice %arg7[%run_scoped3A_29, %dma_start3A_73, %dma_start3A_74] : memref<2x125x80xi32, #tpu.memory_space<vmem>> -> memref<1x125x80xi32, #tpu.memory_space<vmem>>
      %dma_start3A_76 = tpu.memref_squeeze %dma_start3A_75 : memref<1x125x80xi32, #tpu.memory_space<vmem>> -> memref<125x80xi32, #tpu.memory_space<vmem>>
      %dma_start3A_77 = arith.constant 0 : i32
      %dma_start3A_78 = arith.constant 0 : i32
      %dma_start3A_79 = tpu.memref_slice %arg4[%add3A_28, %dma_start3A_77, %dma_start3A_78] : memref<32x125x80xi32, #tpu.memory_space<hbm>> -> memref<1x125x80xi32, #tpu.memory_space<hbm>>
      %dma_start3A_80 = tpu.memref_squeeze %dma_start3A_79 : memref<1x125x80xi32, #tpu.memory_space<hbm>> -> memref<125x80xi32, #tpu.memory_space<hbm>>
      tpu.enqueue_dma source(%dma_start3A_80 : memref<125x80xi32, #tpu.memory_space<hbm>>) target(%dma_start3A_76 : memref<125x80xi32, #tpu.memory_space<vmem>>) target_semaphore(%run_scoped3A_65 : memref<!tpu.dma_semaphore, #tpu.memory_space<semaphore_mem>>)
      %dma_wait3A = arith.constant 0 : i32
      %dma_wait3A_81 = arith.constant 0 : i32
      %dma_wait3A_82 = tpu.memref_slice %arg7[%run_scoped3A_29, %dma_wait3A, %dma_wait3A_81] : memref<2x125x80xi32, #tpu.memory_space<vmem>> -> memref<1x125x80xi32, #tpu.memory_space<vmem>>
      %dma_wait3A_83 = tpu.memref_squeeze %dma_wait3A_82 : memref<1x125x80xi32, #tpu.memory_space<vmem>> -> memref<125x80xi32, #tpu.memory_space<vmem>>
      %dma_wait3A_84 = arith.constant 0 : i32
      %dma_wait3A_85 = arith.constant 0 : i32
      %dma_wait3A_86 = tpu.memref_slice %arg4[%add3A_28, %dma_wait3A_84, %dma_wait3A_85] : memref<32x125x80xi32, #tpu.memory_space<hbm>> -> memref<1x125x80xi32, #tpu.memory_space<hbm>>
      %dma_wait3A_87 = tpu.memref_squeeze %dma_wait3A_86 : memref<1x125x80xi32, #tpu.memory_space<hbm>> -> memref<125x80xi32, #tpu.memory_space<hbm>>
      %dma_wait3A_88 = arith.constant 0 : i32
      %dma_wait3A_89 = arith.constant 0 : i32
      %dma_wait3A_90 = tpu.memref_slice %arg7[%run_scoped3A_29, %dma_wait3A_88, %dma_wait3A_89] : memref<2x125x80xi32, #tpu.memory_space<vmem>> -> memref<1x125x80xi32, #tpu.memory_space<vmem>>
      %dma_wait3A_91 = tpu.memref_squeeze %dma_wait3A_90 : memref<1x125x80xi32, #tpu.memory_space<vmem>> -> memref<125x80xi32, #tpu.memory_space<vmem>>
      %dma_wait3A_92 = arith.constant 0 : i32
      %dma_wait3A_93 = arith.constant 0 : i32
      %dma_wait3A_94 = tpu.memref_slice %arg4[%add3A_28, %dma_wait3A_92, %dma_wait3A_93] : memref<32x125x80xi32, #tpu.memory_space<hbm>> -> memref<1x125x80xi32, #tpu.memory_space<hbm>>
      %dma_wait3A_95 = tpu.memref_squeeze %dma_wait3A_94 : memref<1x125x80xi32, #tpu.memory_space<hbm>> -> memref<125x80xi32, #tpu.memory_space<hbm>>
      tpu.wait_dma2 semaphore(%run_scoped3A_65 : memref<!tpu.dma_semaphore, #tpu.memory_space<semaphore_mem>>) src(%dma_wait3A_95 : memref<125x80xi32, #tpu.memory_space<hbm>>) dst(%dma_wait3A_91 : memref<125x80xi32, #tpu.memory_space<vmem>>)
      tpu.yield
    }) : () -> ()
    %mul3A_30 = arith.constant 5000 : i32
    %mul3A_31 = arith.muli %arg0, %mul3A_30 : i32
    %scan3A_32 = arith.constant 0 : i32
    %scan3A_33 = arith.constant 0 : i32
    %scan3A_34 = arith.constant 125 : i32
    %scan3A_35 = arith.addi %scan3A_33, %scan3A_34 : i32
    %scan3A_36 = arith.constant 1 : i32
    %scan3A_37 = scf.for %scan3A_65 = %scan3A_33 to %scan3A_35 step %scan3A_36 iter_args(%scan3A_66 = %scan3A_32) -> (i32)  : i32 {
      %get3A = arith.constant 0 : i32
      %get3A_67 = arith.index_cast %get3A : i32 to index
      %get3A_68 = arith.index_cast %scan3A_65 : i32 to index
      %get3A_69 = arith.constant 0 : index
      %get3A_70 = tpu.vector_load %arg7[%get3A_67, %get3A_68, %get3A_69] {strides = array<i32>} : memref<2x125x80xi32, #tpu.memory_space<vmem>>, vector<1x1x16xi32>,
      %get3A_71 = vector.shape_cast %get3A_70 : vector<1x1x16xi32> to vector<16xi32>
      %sub3A = vector.broadcast %mul3A_31 : i32 to vector<16xi32>
      %sub3A_72 = arith.subi %get3A_71, %sub3A : vector<16xi32>
      %ge3A = arith.constant 0 : i32
      %ge3A_73 = vector.broadcast %ge3A : i32 to vector<16xi32>
      %ge3A_74 = arith.cmpi sge, %sub3A_72, %ge3A_73 : vector<16xi32>
      %lt3A = arith.constant 5000 : i32
      %lt3A_75 = vector.broadcast %lt3A : i32 to vector<16xi32>
      %lt3A_76 = arith.cmpi slt, %sub3A_72, %lt3A_75 : vector<16xi32>
      %and3A = arith.andi %ge3A_74, %lt3A_76 : vector<16xi1>
      %broadcast_in_dim3A = arith.constant 5100 : i32
      %broadcast_in_dim3A_77 = vector.broadcast %broadcast_in_dim3A : i32 to vector<16xi32>
      %select_n3A = arith.select %and3A, %sub3A_72, %broadcast_in_dim3A_77 : vector<16xi1>, vector<16xi32>
      %swap3A = arith.constant 0 : i32
      %swap3A_78 = arith.index_cast %swap3A : i32 to index
      %swap3A_79 = arith.index_cast %scan3A_65 : i32 to index
      %swap3A_80 = arith.constant 0 : index
      %swap3A_81 = tpu.vector_load %arg7[%swap3A_78, %swap3A_79, %swap3A_80] {strides = array<i32>} : memref<2x125x80xi32, #tpu.memory_space<vmem>>, vector<1x1x16xi32>,
      %swap3A_82 = vector.shape_cast %swap3A_81 : vector<1x1x16xi32> to vector<16xi32>
      %swap3A_83 = vector.shape_cast %select_n3A : vector<16xi32> to vector<1x1x16xi32>
      tpu.vector_store %arg7[%swap3A_78, %swap3A_79, %swap3A_80], %swap3A_83 {strides = array<i32>} : memref<2x125x80xi32, #tpu.memory_space<vmem>>, vector<1x1x16xi32>,
      %get3A_84 = arith.constant 0 : i32
      %get3A_85 = arith.index_cast %get3A_84 : i32 to index
      %get3A_86 = arith.index_cast %scan3A_65 : i32 to index
      %get3A_87 = arith.constant 16 : index
      %get3A_88 = tpu.vector_load %arg7[%get3A_85, %get3A_86, %get3A_87] {strides = array<i32>} : memref<2x125x80xi32, #tpu.memory_space<vmem>>, vector<1x1x16xi32>,
      %get3A_89 = vector.shape_cast %get3A_88 : vector<1x1x16xi32> to vector<16xi32>
      %sub3A_90 = vector.broadcast %mul3A_31 : i32 to vector<16xi32>
      %sub3A_91 = arith.subi %get3A_89, %sub3A_90 : vector<16xi32>
      %ge3A_92 = arith.constant 0 : i32
      %ge3A_93 = vector.broadcast %ge3A_92 : i32 to vector<16xi32>
      %ge3A_94 = arith.cmpi sge, %sub3A_91, %ge3A_93 : vector<16xi32>
      %lt3A_95 = arith.constant 5000 : i32
      %lt3A_96 = vector.broadcast %lt3A_95 : i32 to vector<16xi32>
      %lt3A_97 = arith.cmpi slt, %sub3A_91, %lt3A_96 : vector<16xi32>
      %and3A_98 = arith.andi %ge3A_94, %lt3A_97 : vector<16xi1>
      %broadcast_in_dim3A_99 = arith.constant 5100 : i32
      %broadcast_in_dim3A_100 = vector.broadcast %broadcast_in_dim3A_99 : i32 to vector<16xi32>
      %select_n3A_101 = arith.select %and3A_98, %sub3A_91, %broadcast_in_dim3A_100 : vector<16xi1>, vector<16xi32>
      %swap3A_102 = arith.constant 0 : i32
      %swap3A_103 = arith.index_cast %swap3A_102 : i32 to index
      %swap3A_104 = arith.index_cast %scan3A_65 : i32 to index
      %swap3A_105 = arith.constant 16 : index
      %swap3A_106 = tpu.vector_load %arg7[%swap3A_103, %swap3A_104, %swap3A_105] {strides = array<i32>} : memref<2x125x80xi32, #tpu.memory_space<vmem>>, vector<1x1x16xi32>,
      %swap3A_107 = vector.shape_cast %swap3A_106 : vector<1x1x16xi32> to vector<16xi32>
      %swap3A_108 = vector.shape_cast %select_n3A_101 : vector<16xi32> to vector<1x1x16xi32>
      tpu.vector_store %arg7[%swap3A_103, %swap3A_104, %swap3A_105], %swap3A_108 {strides = array<i32>} : memref<2x125x80xi32, #tpu.memory_space<vmem>>, vector<1x1x16xi32>,
      %get3A_109 = arith.constant 0 : i32
      %get3A_110 = arith.index_cast %get3A_109 : i32 to index
      %get3A_111 = arith.index_cast %scan3A_65 : i32 to index
      %get3A_112 = arith.constant 32 : index
      %get3A_113 = tpu.vector_load %arg7[%get3A_110, %get3A_111, %get3A_112] {strides = array<i32>} : memref<2x125x80xi32, #tpu.memory_space<vmem>>, vector<1x1x16xi32>,
      %get3A_114 = vector.shape_cast %get3A_113 : vector<1x1x16xi32> to vector<16xi32>
      %sub3A_115 = vector.broadcast %mul3A_31 : i32 to vector<16xi32>
      %sub3A_116 = arith.subi %get3A_114, %sub3A_115 : vector<16xi32>
      %ge3A_117 = arith.constant 0 : i32
      %ge3A_118 = vector.broadcast %ge3A_117 : i32 to vector<16xi32>
      %ge3A_119 = arith.cmpi sge, %sub3A_116, %ge3A_118 : vector<16xi32>
      %lt3A_120 = arith.constant 5000 : i32
      %lt3A_121 = vector.broadcast %lt3A_120 : i32 to vector<16xi32>
      %lt3A_122 = arith.cmpi slt, %sub3A_116, %lt3A_121 : vector<16xi32>
      %and3A_123 = arith.andi %ge3A_119, %lt3A_122 : vector<16xi1>
      %broadcast_in_dim3A_124 = arith.constant 5100 : i32
      %broadcast_in_dim3A_125 = vector.broadcast %broadcast_in_dim3A_124 : i32 to vector<16xi32>
      %select_n3A_126 = arith.select %and3A_123, %sub3A_116, %broadcast_in_dim3A_125 : vector<16xi1>, vector<16xi32>
      %swap3A_127 = arith.constant 0 : i32
      %swap3A_128 = arith.index_cast %swap3A_127 : i32 to index
      %swap3A_129 = arith.index_cast %scan3A_65 : i32 to index
      %swap3A_130 = arith.constant 32 : index
      %swap3A_131 = tpu.vector_load %arg7[%swap3A_128, %swap3A_129, %swap3A_130] {strides = array<i32>} : memref<2x125x80xi32, #tpu.memory_space<vmem>>, vector<1x1x16xi32>,
      %swap3A_132 = vector.shape_cast %swap3A_131 : vector<1x1x16xi32> to vector<16xi32>
      %swap3A_133 = vector.shape_cast %select_n3A_126 : vector<16xi32> to vector<1x1x16xi32>
      tpu.vector_store %arg7[%swap3A_128, %swap3A_129, %swap3A_130], %swap3A_133 {strides = array<i32>} : memref<2x125x80xi32, #tpu.memory_space<vmem>>, vector<1x1x16xi32>,
      %get3A_134 = arith.constant 0 : i32
      %get3A_135 = arith.index_cast %get3A_134 : i32 to index
      %get3A_136 = arith.index_cast %scan3A_65 : i32 to index
      %get3A_137 = arith.constant 48 : index
      %get3A_138 = tpu.vector_load %arg7[%get3A_135, %get3A_136, %get3A_137] {strides = array<i32>} : memref<2x125x80xi32, #tpu.memory_space<vmem>>, vector<1x1x16xi32>,
      %get3A_139 = vector.shape_cast %get3A_138 : vector<1x1x16xi32> to vector<16xi32>
      %sub3A_140 = vector.broadcast %mul3A_31 : i32 to vector<16xi32>
      %sub3A_141 = arith.subi %get3A_139, %sub3A_140 : vector<16xi32>
      %ge3A_142 = arith.constant 0 : i32
      %ge3A_143 = vector.broadcast %ge3A_142 : i32 to vector<16xi32>
      %ge3A_144 = arith.cmpi sge, %sub3A_141, %ge3A_143 : vector<16xi32>
      %lt3A_145 = arith.constant 5000 : i32
      %lt3A_146 = vector.broadcast %lt3A_145 : i32 to vector<16xi32>
      %lt3A_147 = arith.cmpi slt, %sub3A_141, %lt3A_146 : vector<16xi32>
      %and3A_148 = arith.andi %ge3A_144, %lt3A_147 : vector<16xi1>
      %broadcast_in_dim3A_149 = arith.constant 5100 : i32
      %broadcast_in_dim3A_150 = vector.broadcast %broadcast_in_dim3A_149 : i32 to vector<16xi32>
      %select_n3A_151 = arith.select %and3A_148, %sub3A_141, %broadcast_in_dim3A_150 : vector<16xi1>, vector<16xi32>
      %swap3A_152 = arith.constant 0 : i32
      %swap3A_153 = arith.index_cast %swap3A_152 : i32 to index
      %swap3A_154 = arith.index_cast %scan3A_65 : i32 to index
      %swap3A_155 = arith.constant 48 : index
      %swap3A_156 = tpu.vector_load %arg7[%swap3A_153, %swap3A_154, %swap3A_155] {strides = array<i32>} : memref<2x125x80xi32, #tpu.memory_space<vmem>>, vector<1x1x16xi32>,
      %swap3A_157 = vector.shape_cast %swap3A_156 : vector<1x1x16xi32> to vector<16xi32>
      %swap3A_158 = vector.shape_cast %select_n3A_151 : vector<16xi32> to vector<1x1x16xi32>
      tpu.vector_store %arg7[%swap3A_153, %swap3A_154, %swap3A_155], %swap3A_158 {strides = array<i32>} : memref<2x125x80xi32, #tpu.memory_space<vmem>>, vector<1x1x16xi32>,
      %get3A_159 = arith.constant 0 : i32
      %get3A_160 = arith.index_cast %get3A_159 : i32 to index
      %get3A_161 = arith.index_cast %scan3A_65 : i32 to index
      %get3A_162 = arith.constant 64 : index
      %get3A_163 = tpu.vector_load %arg7[%get3A_160, %get3A_161, %get3A_162] {strides = array<i32>} : memref<2x125x80xi32, #tpu.memory_space<vmem>>, vector<1x1x16xi32>,
      %get3A_164 = vector.shape_cast %get3A_163 : vector<1x1x16xi32> to vector<16xi32>
      %sub3A_165 = vector.broadcast %mul3A_31 : i32 to vector<16xi32>
      %sub3A_166 = arith.subi %get3A_164, %sub3A_165 : vector<16xi32>
      %ge3A_167 = arith.constant 0 : i32
      %ge3A_168 = vector.broadcast %ge3A_167 : i32 to vector<16xi32>
      %ge3A_169 = arith.cmpi sge, %sub3A_166, %ge3A_168 : vector<16xi32>
      %lt3A_170 = arith.constant 5000 : i32
      %lt3A_171 = vector.broadcast %lt3A_170 : i32 to vector<16xi32>
      %lt3A_172 = arith.cmpi slt, %sub3A_166, %lt3A_171 : vector<16xi32>
      %and3A_173 = arith.andi %ge3A_169, %lt3A_172 : vector<16xi1>
      %broadcast_in_dim3A_174 = arith.constant 5100 : i32
      %broadcast_in_dim3A_175 = vector.broadcast %broadcast_in_dim3A_174 : i32 to vector<16xi32>
      %select_n3A_176 = arith.select %and3A_173, %sub3A_166, %broadcast_in_dim3A_175 : vector<16xi1>, vector<16xi32>
      %swap3A_177 = arith.constant 0 : i32
      %swap3A_178 = arith.index_cast %swap3A_177 : i32 to index
      %swap3A_179 = arith.index_cast %scan3A_65 : i32 to index
      %swap3A_180 = arith.constant 64 : index
      %swap3A_181 = tpu.vector_load %arg7[%swap3A_178, %swap3A_179, %swap3A_180] {strides = array<i32>} : memref<2x125x80xi32, #tpu.memory_space<vmem>>, vector<1x1x16xi32>,
      %swap3A_182 = vector.shape_cast %swap3A_181 : vector<1x1x16xi32> to vector<16xi32>
      %swap3A_183 = vector.shape_cast %select_n3A_176 : vector<16xi32> to vector<1x1x16xi32>
      tpu.vector_store %arg7[%swap3A_178, %swap3A_179, %swap3A_180], %swap3A_183 {strides = array<i32>} : memref<2x125x80xi32, #tpu.memory_space<vmem>>, vector<1x1x16xi32>,
      %scan3A_184 = arith.constant 0 : i32
      scf.yield %scan3A_184 : i32
    }
    %scan3A_38 = arith.constant 125 : i32
    %scan3A_39 = arith.constant 0 : i32
    %scan3A_40 = arith.constant 0 : i32
    %scan3A_41 = arith.constant 125 : i32
    %scan3A_42 = arith.addi %scan3A_40, %scan3A_41 : i32
    %scan3A_43 = arith.constant 1 : i32
    %scan3A_44 = scf.for %scan3A_65 = %scan3A_40 to %scan3A_42 step %scan3A_43 iter_args(%scan3A_66 = %scan3A_39) -> (i32)  : i32 {
      %get3A = arith.constant 1 : i32
      %get3A_67 = arith.index_cast %get3A : i32 to index
      %get3A_68 = arith.index_cast %scan3A_65 : i32 to index
      %get3A_69 = arith.constant 0 : index
      %get3A_70 = tpu.vector_load %arg7[%get3A_67, %get3A_68, %get3A_69] {strides = array<i32>} : memref<2x125x80xi32, #tpu.memory_space<vmem>>, vector<1x1x16xi32>,
      %get3A_71 = vector.shape_cast %get3A_70 : vector<1x1x16xi32> to vector<16xi32>
      %sub3A = vector.broadcast %mul3A_31 : i32 to vector<16xi32>
      %sub3A_72 = arith.subi %get3A_71, %sub3A : vector<16xi32>
      %ge3A = arith.constant 0 : i32
      %ge3A_73 = vector.broadcast %ge3A : i32 to vector<16xi32>
      %ge3A_74 = arith.cmpi sge, %sub3A_72, %ge3A_73 : vector<16xi32>
      %lt3A = arith.constant 5000 : i32
      %lt3A_75 = vector.broadcast %lt3A : i32 to vector<16xi32>
      %lt3A_76 = arith.cmpi slt, %sub3A_72, %lt3A_75 : vector<16xi32>
      %and3A = arith.andi %ge3A_74, %lt3A_76 : vector<16xi1>
      %broadcast_in_dim3A = arith.constant 5100 : i32
      %broadcast_in_dim3A_77 = vector.broadcast %broadcast_in_dim3A : i32 to vector<16xi32>
      %select_n3A = arith.select %and3A, %sub3A_72, %broadcast_in_dim3A_77 : vector<16xi1>, vector<16xi32>
      %swap3A = arith.constant 1 : i32
      %swap3A_78 = arith.index_cast %swap3A : i32 to index
      %swap3A_79 = arith.index_cast %scan3A_65 : i32 to index
      %swap3A_80 = arith.constant 0 : index
      %swap3A_81 = tpu.vector_load %arg7[%swap3A_78, %swap3A_79, %swap3A_80] {strides = array<i32>} : memref<2x125x80xi32, #tpu.memory_space<vmem>>, vector<1x1x16xi32>,
      %swap3A_82 = vector.shape_cast %swap3A_81 : vector<1x1x16xi32> to vector<16xi32>
      %swap3A_83 = vector.shape_cast %select_n3A : vector<16xi32> to vector<1x1x16xi32>
      tpu.vector_store %arg7[%swap3A_78, %swap3A_79, %swap3A_80], %swap3A_83 {strides = array<i32>} : memref<2x125x80xi32, #tpu.memory_space<vmem>>, vector<1x1x16xi32>,
      %get3A_84 = arith.constant 1 : i32
      %get3A_85 = arith.index_cast %get3A_84 : i32 to index
      %get3A_86 = arith.index_cast %scan3A_65 : i32 to index
      %get3A_87 = arith.constant 16 : index
      %get3A_88 = tpu.vector_load %arg7[%get3A_85, %get3A_86, %get3A_87] {strides = array<i32>} : memref<2x125x80xi32, #tpu.memory_space<vmem>>, vector<1x1x16xi32>,
      %get3A_89 = vector.shape_cast %get3A_88 : vector<1x1x16xi32> to vector<16xi32>
      %sub3A_90 = vector.broadcast %mul3A_31 : i32 to vector<16xi32>
      %sub3A_91 = arith.subi %get3A_89, %sub3A_90 : vector<16xi32>
      %ge3A_92 = arith.constant 0 : i32
      %ge3A_93 = vector.broadcast %ge3A_92 : i32 to vector<16xi32>
      %ge3A_94 = arith.cmpi sge, %sub3A_91, %ge3A_93 : vector<16xi32>
      %lt3A_95 = arith.constant 5000 : i32
      %lt3A_96 = vector.broadcast %lt3A_95 : i32 to vector<16xi32>
      %lt3A_97 = arith.cmpi slt, %sub3A_91, %lt3A_96 : vector<16xi32>
      %and3A_98 = arith.andi %ge3A_94, %lt3A_97 : vector<16xi1>
      %broadcast_in_dim3A_99 = arith.constant 5100 : i32
      %broadcast_in_dim3A_100 = vector.broadcast %broadcast_in_dim3A_99 : i32 to vector<16xi32>
      %select_n3A_101 = arith.select %and3A_98, %sub3A_91, %broadcast_in_dim3A_100 : vector<16xi1>, vector<16xi32>
      %swap3A_102 = arith.constant 1 : i32
      %swap3A_103 = arith.index_cast %swap3A_102 : i32 to index
      %swap3A_104 = arith.index_cast %scan3A_65 : i32 to index
      %swap3A_105 = arith.constant 16 : index
      %swap3A_106 = tpu.vector_load %arg7[%swap3A_103, %swap3A_104, %swap3A_105] {strides = array<i32>} : memref<2x125x80xi32, #tpu.memory_space<vmem>>, vector<1x1x16xi32>,
      %swap3A_107 = vector.shape_cast %swap3A_106 : vector<1x1x16xi32> to vector<16xi32>
      %swap3A_108 = vector.shape_cast %select_n3A_101 : vector<16xi32> to vector<1x1x16xi32>
      tpu.vector_store %arg7[%swap3A_103, %swap3A_104, %swap3A_105], %swap3A_108 {strides = array<i32>} : memref<2x125x80xi32, #tpu.memory_space<vmem>>, vector<1x1x16xi32>,
      %get3A_109 = arith.constant 1 : i32
      %get3A_110 = arith.index_cast %get3A_109 : i32 to index
      %get3A_111 = arith.index_cast %scan3A_65 : i32 to index
      %get3A_112 = arith.constant 32 : index
      %get3A_113 = tpu.vector_load %arg7[%get3A_110, %get3A_111, %get3A_112] {strides = array<i32>} : memref<2x125x80xi32, #tpu.memory_space<vmem>>, vector<1x1x16xi32>,
      %get3A_114 = vector.shape_cast %get3A_113 : vector<1x1x16xi32> to vector<16xi32>
      %sub3A_115 = vector.broadcast %mul3A_31 : i32 to vector<16xi32>
      %sub3A_116 = arith.subi %get3A_114, %sub3A_115 : vector<16xi32>
      %ge3A_117 = arith.constant 0 : i32
      %ge3A_118 = vector.broadcast %ge3A_117 : i32 to vector<16xi32>
      %ge3A_119 = arith.cmpi sge, %sub3A_116, %ge3A_118 : vector<16xi32>
      %lt3A_120 = arith.constant 5000 : i32
      %lt3A_121 = vector.broadcast %lt3A_120 : i32 to vector<16xi32>
      %lt3A_122 = arith.cmpi slt, %sub3A_116, %lt3A_121 : vector<16xi32>
      %and3A_123 = arith.andi %ge3A_119, %lt3A_122 : vector<16xi1>
      %broadcast_in_dim3A_124 = arith.constant 5100 : i32
      %broadcast_in_dim3A_125 = vector.broadcast %broadcast_in_dim3A_124 : i32 to vector<16xi32>
      %select_n3A_126 = arith.select %and3A_123, %sub3A_116, %broadcast_in_dim3A_125 : vector<16xi1>, vector<16xi32>
      %swap3A_127 = arith.constant 1 : i32
      %swap3A_128 = arith.index_cast %swap3A_127 : i32 to index
      %swap3A_129 = arith.index_cast %scan3A_65 : i32 to index
      %swap3A_130 = arith.constant 32 : index
      %swap3A_131 = tpu.vector_load %arg7[%swap3A_128, %swap3A_129, %swap3A_130] {strides = array<i32>} : memref<2x125x80xi32, #tpu.memory_space<vmem>>, vector<1x1x16xi32>,
      %swap3A_132 = vector.shape_cast %swap3A_131 : vector<1x1x16xi32> to vector<16xi32>
      %swap3A_133 = vector.shape_cast %select_n3A_126 : vector<16xi32> to vector<1x1x16xi32>
      tpu.vector_store %arg7[%swap3A_128, %swap3A_129, %swap3A_130], %swap3A_133 {strides = array<i32>} : memref<2x125x80xi32, #tpu.memory_space<vmem>>, vector<1x1x16xi32>,
      %get3A_134 = arith.constant 1 : i32
      %get3A_135 = arith.index_cast %get3A_134 : i32 to index
      %get3A_136 = arith.index_cast %scan3A_65 : i32 to index
      %get3A_137 = arith.constant 48 : index
      %get3A_138 = tpu.vector_load %arg7[%get3A_135, %get3A_136, %get3A_137] {strides = array<i32>} : memref<2x125x80xi32, #tpu.memory_space<vmem>>, vector<1x1x16xi32>,
      %get3A_139 = vector.shape_cast %get3A_138 : vector<1x1x16xi32> to vector<16xi32>
      %sub3A_140 = vector.broadcast %mul3A_31 : i32 to vector<16xi32>
      %sub3A_141 = arith.subi %get3A_139, %sub3A_140 : vector<16xi32>
      %ge3A_142 = arith.constant 0 : i32
      %ge3A_143 = vector.broadcast %ge3A_142 : i32 to vector<16xi32>
      %ge3A_144 = arith.cmpi sge, %sub3A_141, %ge3A_143 : vector<16xi32>
      %lt3A_145 = arith.constant 5000 : i32
      %lt3A_146 = vector.broadcast %lt3A_145 : i32 to vector<16xi32>
      %lt3A_147 = arith.cmpi slt, %sub3A_141, %lt3A_146 : vector<16xi32>
      %and3A_148 = arith.andi %ge3A_144, %lt3A_147 : vector<16xi1>
      %broadcast_in_dim3A_149 = arith.constant 5100 : i32
      %broadcast_in_dim3A_150 = vector.broadcast %broadcast_in_dim3A_149 : i32 to vector<16xi32>
      %select_n3A_151 = arith.select %and3A_148, %sub3A_141, %broadcast_in_dim3A_150 : vector<16xi1>, vector<16xi32>
      %swap3A_152 = arith.constant 1 : i32
      %swap3A_153 = arith.index_cast %swap3A_152 : i32 to index
      %swap3A_154 = arith.index_cast %scan3A_65 : i32 to index
      %swap3A_155 = arith.constant 48 : index
      %swap3A_156 = tpu.vector_load %arg7[%swap3A_153, %swap3A_154, %swap3A_155] {strides = array<i32>} : memref<2x125x80xi32, #tpu.memory_space<vmem>>, vector<1x1x16xi32>,
      %swap3A_157 = vector.shape_cast %swap3A_156 : vector<1x1x16xi32> to vector<16xi32>
      %swap3A_158 = vector.shape_cast %select_n3A_151 : vector<16xi32> to vector<1x1x16xi32>
      tpu.vector_store %arg7[%swap3A_153, %swap3A_154, %swap3A_155], %swap3A_158 {strides = array<i32>} : memref<2x125x80xi32, #tpu.memory_space<vmem>>, vector<1x1x16xi32>,
      %get3A_159 = arith.constant 1 : i32
      %get3A_160 = arith.index_cast %get3A_159 : i32 to index
      %get3A_161 = arith.index_cast %scan3A_65 : i32 to index
      %get3A_162 = arith.constant 64 : index
      %get3A_163 = tpu.vector_load %arg7[%get3A_160, %get3A_161, %get3A_162] {strides = array<i32>} : memref<2x125x80xi32, #tpu.memory_space<vmem>>, vector<1x1x16xi32>,
      %get3A_164 = vector.shape_cast %get3A_163 : vector<1x1x16xi32> to vector<16xi32>
      %sub3A_165 = vector.broadcast %mul3A_31 : i32 to vector<16xi32>
      %sub3A_166 = arith.subi %get3A_164, %sub3A_165 : vector<16xi32>
      %ge3A_167 = arith.constant 0 : i32
      %ge3A_168 = vector.broadcast %ge3A_167 : i32 to vector<16xi32>
      %ge3A_169 = arith.cmpi sge, %sub3A_166, %ge3A_168 : vector<16xi32>
      %lt3A_170 = arith.constant 5000 : i32
      %lt3A_171 = vector.broadcast %lt3A_170 : i32 to vector<16xi32>
      %lt3A_172 = arith.cmpi slt, %sub3A_166, %lt3A_171 : vector<16xi32>
      %and3A_173 = arith.andi %ge3A_169, %lt3A_172 : vector<16xi1>
      %broadcast_in_dim3A_174 = arith.constant 5100 : i32
      %broadcast_in_dim3A_175 = vector.broadcast %broadcast_in_dim3A_174 : i32 to vector<16xi32>
      %select_n3A_176 = arith.select %and3A_173, %sub3A_166, %broadcast_in_dim3A_175 : vector<16xi1>, vector<16xi32>
      %swap3A_177 = arith.constant 1 : i32
      %swap3A_178 = arith.index_cast %swap3A_177 : i32 to index
      %swap3A_179 = arith.index_cast %scan3A_65 : i32 to index
      %swap3A_180 = arith.constant 64 : index
      %swap3A_181 = tpu.vector_load %arg7[%swap3A_178, %swap3A_179, %swap3A_180] {strides = array<i32>} : memref<2x125x80xi32, #tpu.memory_space<vmem>>, vector<1x1x16xi32>,
      %swap3A_182 = vector.shape_cast %swap3A_181 : vector<1x1x16xi32> to vector<16xi32>
      %swap3A_183 = vector.shape_cast %select_n3A_176 : vector<16xi32> to vector<1x1x16xi32>
      tpu.vector_store %arg7[%swap3A_178, %swap3A_179, %swap3A_180], %swap3A_183 {strides = array<i32>} : memref<2x125x80xi32, #tpu.memory_space<vmem>>, vector<1x1x16xi32>,
      %scan3A_184 = arith.constant 0 : i32
      scf.yield %scan3A_184 : i32
    }
    %scan3A_45 = arith.constant 125 : i32
    %barrier3A = arith.constant 0 : index
    tpu.barrier barrier_id(%barrier3A)
    %scan3A_46 = arith.constant 0 : i32
    %scan3A_47 = arith.constant 0 : i32
    %scan3A_48 = arith.constant 125 : i32
    %scan3A_49 = arith.addi %scan3A_47, %scan3A_48 : i32
    %scan3A_50 = arith.constant 1 : i32
    %scan3A_51 = scf.for %scan3A_65 = %scan3A_47 to %scan3A_49 step %scan3A_50 iter_args(%scan3A_66 = %scan3A_46) -> (i32)  : i32 {
      %dma_start3A = arith.constant 0 : i32
      %dma_start3A_67 = arith.constant 0 : i32
      %dma_start3A_68 = tpu.memref_slice %arg6[%dma_start3A, %scan3A_65, %dma_start3A_67] : memref<2x125x80xi32, #tpu.memory_space<vmem>> -> memref<1x1x80xi32, #tpu.memory_space<vmem>>
      %dma_start3A_69 = tpu.memref_squeeze %dma_start3A_68 : memref<1x1x80xi32, #tpu.memory_space<vmem>> -> memref<80xi32, #tpu.memory_space<vmem>>
      %dma_start3A_70 = arith.constant 0 : i32
      %dma_start3A_71 = arith.constant 0 : i32
      %dma_start3A_72 = tpu.memref_slice %arg2[%dma_start3A_70, %dma_start3A_71] : memref<10000x128xf32, #tpu.memory_space<hbm>> -> memref<10000x128xf32, #tpu.memory_space<hbm>>
      tpu.enqueue_indirect_dma source(%dma_start3A_72 : memref<10000x128xf32, #tpu.memory_space<hbm>>) target(%arg8 : memref<80x128xf32, #tpu.memory_space<vmem>>) offsets(%dma_start3A_69 : memref<80xi32, #tpu.memory_space<vmem>>) semaphore(%arg11 : memref<!tpu.dma_semaphore, #tpu.memory_space<semaphore_mem>>)
      %dma_wait3A = arith.constant 0 : i32
      %dma_wait3A_73 = arith.constant 0 : i32
      %dma_wait3A_74 = tpu.memref_slice %arg6[%dma_wait3A, %scan3A_65, %dma_wait3A_73] : memref<2x125x80xi32, #tpu.memory_space<vmem>> -> memref<1x1x80xi32, #tpu.memory_space<vmem>>
      %dma_wait3A_75 = tpu.memref_squeeze %dma_wait3A_74 : memref<1x1x80xi32, #tpu.memory_space<vmem>> -> memref<80xi32, #tpu.memory_space<vmem>>
      %dma_wait3A_76 = arith.constant 0 : i32
      %dma_wait3A_77 = arith.constant 0 : i32
      %dma_wait3A_78 = tpu.memref_slice %arg2[%dma_wait3A_76, %dma_wait3A_77] : memref<10000x128xf32, #tpu.memory_space<hbm>> -> memref<10000x128xf32, #tpu.memory_space<hbm>>
      tpu.wait_indirect_dma semaphore(%arg11 : memref<!tpu.dma_semaphore, #tpu.memory_space<semaphore_mem>>) src(%dma_wait3A_78 : memref<10000x128xf32, #tpu.memory_space<hbm>>) dst(%arg8 : memref<80x128xf32, #tpu.memory_space<vmem>>)
      %run_scoped3A_79 = arith.constant 0 : i32
      "tpu.region"() ({
        %run_scoped3A_81 = tpu.sem_alloc : memref<!tpu.dma_semaphore, #tpu.memory_space<semaphore_mem>>
        %dma_start3A_82 = arith.constant 0 : i32
        %dma_start3A_83 = tpu.memref_slice %arg7[%run_scoped3A_79, %scan3A_65, %dma_start3A_82] : memref<2x125x80xi32, #tpu.memory_space<vmem>> -> memref<1x1x80xi32, #tpu.memory_space<vmem>>
        %dma_start3A_84 = tpu.memref_squeeze %dma_start3A_83 : memref<1x1x80xi32, #tpu.memory_space<vmem>> -> memref<80xi32, #tpu.memory_space<vmem>>
        %dma_start3A_85 = arith.constant 0 : i32
        %dma_start3A_86 = arith.constant 0 : i32
        %dma_start3A_87 = tpu.memref_slice %arg10[%dma_start3A_85, %dma_start3A_86] : memref<5120x128xf32, #tpu.memory_space<vmem_shared>> -> memref<5120x128xf32, #tpu.memory_space<vmem_shared>>
        tpu.enqueue_indirect_dma source(%arg8 : memref<80x128xf32, #tpu.memory_space<vmem>>) target(%dma_start3A_87 : memref<5120x128xf32, #tpu.memory_space<vmem_shared>>) offsets(%dma_start3A_84 : memref<80xi32, #tpu.memory_space<vmem>>) semaphore(%run_scoped3A_81 : memref<!tpu.dma_semaphore, #tpu.memory_space<semaphore_mem>>) {add = true}
        %dma_wait3A_88 = arith.constant 0 : i32
        %dma_wait3A_89 = tpu.memref_slice %arg7[%run_scoped3A_79, %scan3A_65, %dma_wait3A_88] : memref<2x125x80xi32, #tpu.memory_space<vmem>> -> memref<1x1x80xi32, #tpu.memory_space<vmem>>
        %dma_wait3A_90 = tpu.memref_squeeze %dma_wait3A_89 : memref<1x1x80xi32, #tpu.memory_space<vmem>> -> memref<80xi32, #tpu.memory_space<vmem>>
        %dma_wait3A_91 = arith.constant 0 : i32
        %dma_wait3A_92 = arith.constant 0 : i32
        %dma_wait3A_93 = tpu.memref_slice %arg10[%dma_wait3A_91, %dma_wait3A_92] : memref<5120x128xf32, #tpu.memory_space<vmem_shared>> -> memref<5120x128xf32, #tpu.memory_space<vmem_shared>>
        tpu.wait_indirect_dma semaphore(%run_scoped3A_81 : memref<!tpu.dma_semaphore, #tpu.memory_space<semaphore_mem>>) src(%arg8 : memref<80x128xf32, #tpu.memory_space<vmem>>) dst(%dma_wait3A_93 : memref<5120x128xf32, #tpu.memory_space<vmem_shared>>)
        tpu.yield
      }) : () -> ()
      %scan3A_80 = arith.constant 0 : i32
      scf.yield %scan3A_80 : i32
    }
    %scan3A_52 = arith.constant 125 : i32
    %scan3A_53 = arith.constant 0 : i32
    %scan3A_54 = arith.constant 0 : i32
    %scan3A_55 = arith.constant 125 : i32
    %scan3A_56 = arith.addi %scan3A_54, %scan3A_55 : i32
    %scan3A_57 = arith.constant 1 : i32
    %scan3A_58 = scf.for %scan3A_65 = %scan3A_54 to %scan3A_56 step %scan3A_57 iter_args(%scan3A_66 = %scan3A_53) -> (i32)  : i32 {
      %dma_start3A = arith.constant 1 : i32
      %dma_start3A_67 = arith.constant 0 : i32
      %dma_start3A_68 = tpu.memref_slice %arg6[%dma_start3A, %scan3A_65, %dma_start3A_67] : memref<2x125x80xi32, #tpu.memory_space<vmem>> -> memref<1x1x80xi32, #tpu.memory_space<vmem>>
      %dma_start3A_69 = tpu.memref_squeeze %dma_start3A_68 : memref<1x1x80xi32, #tpu.memory_space<vmem>> -> memref<80xi32, #tpu.memory_space<vmem>>
      %dma_start3A_70 = arith.constant 0 : i32
      %dma_start3A_71 = arith.constant 0 : i32
      %dma_start3A_72 = tpu.memref_slice %arg2[%dma_start3A_70, %dma_start3A_71] : memref<10000x128xf32, #tpu.memory_space<hbm>> -> memref<10000x128xf32, #tpu.memory_space<hbm>>
      tpu.enqueue_indirect_dma source(%dma_start3A_72 : memref<10000x128xf32, #tpu.memory_space<hbm>>) target(%arg8 : memref<80x128xf32, #tpu.memory_space<vmem>>) offsets(%dma_start3A_69 : memref<80xi32, #tpu.memory_space<vmem>>) semaphore(%arg11 : memref<!tpu.dma_semaphore, #tpu.memory_space<semaphore_mem>>)
      %dma_wait3A = arith.constant 1 : i32
      %dma_wait3A_73 = arith.constant 0 : i32
      %dma_wait3A_74 = tpu.memref_slice %arg6[%dma_wait3A, %scan3A_65, %dma_wait3A_73] : memref<2x125x80xi32, #tpu.memory_space<vmem>> -> memref<1x1x80xi32, #tpu.memory_space<vmem>>
      %dma_wait3A_75 = tpu.memref_squeeze %dma_wait3A_74 : memref<1x1x80xi32, #tpu.memory_space<vmem>> -> memref<80xi32, #tpu.memory_space<vmem>>
      %dma_wait3A_76 = arith.constant 0 : i32
      %dma_wait3A_77 = arith.constant 0 : i32
      %dma_wait3A_78 = tpu.memref_slice %arg2[%dma_wait3A_76, %dma_wait3A_77] : memref<10000x128xf32, #tpu.memory_space<hbm>> -> memref<10000x128xf32, #tpu.memory_space<hbm>>
      tpu.wait_indirect_dma semaphore(%arg11 : memref<!tpu.dma_semaphore, #tpu.memory_space<semaphore_mem>>) src(%dma_wait3A_78 : memref<10000x128xf32, #tpu.memory_space<hbm>>) dst(%arg8 : memref<80x128xf32, #tpu.memory_space<vmem>>)
      %run_scoped3A_79 = arith.constant 1 : i32
      "tpu.region"() ({
        %run_scoped3A_81 = tpu.sem_alloc : memref<!tpu.dma_semaphore, #tpu.memory_space<semaphore_mem>>
        %dma_start3A_82 = arith.constant 0 : i32
        %dma_start3A_83 = tpu.memref_slice %arg7[%run_scoped3A_79, %scan3A_65, %dma_start3A_82] : memref<2x125x80xi32, #tpu.memory_space<vmem>> -> memref<1x1x80xi32, #tpu.memory_space<vmem>>
        %dma_start3A_84 = tpu.memref_squeeze %dma_start3A_83 : memref<1x1x80xi32, #tpu.memory_space<vmem>> -> memref<80xi32, #tpu.memory_space<vmem>>
        %dma_start3A_85 = arith.constant 0 : i32
        %dma_start3A_86 = arith.constant 0 : i32
        %dma_start3A_87 = tpu.memref_slice %arg10[%dma_start3A_85, %dma_start3A_86] : memref<5120x128xf32, #tpu.memory_space<vmem_shared>> -> memref<5120x128xf32, #tpu.memory_space<vmem_shared>>
        tpu.enqueue_indirect_dma source(%arg8 : memref<80x128xf32, #tpu.memory_space<vmem>>) target(%dma_start3A_87 : memref<5120x128xf32, #tpu.memory_space<vmem_shared>>) offsets(%dma_start3A_84 : memref<80xi32, #tpu.memory_space<vmem>>) semaphore(%run_scoped3A_81 : memref<!tpu.dma_semaphore, #tpu.memory_space<semaphore_mem>>) {add = true}
        %dma_wait3A_88 = arith.constant 0 : i32
        %dma_wait3A_89 = tpu.memref_slice %arg7[%run_scoped3A_79, %scan3A_65, %dma_wait3A_88] : memref<2x125x80xi32, #tpu.memory_space<vmem>> -> memref<1x1x80xi32, #tpu.memory_space<vmem>>
        %dma_wait3A_90 = tpu.memref_squeeze %dma_wait3A_89 : memref<1x1x80xi32, #tpu.memory_space<vmem>> -> memref<80xi32, #tpu.memory_space<vmem>>
        %dma_wait3A_91 = arith.constant 0 : i32
        %dma_wait3A_92 = arith.constant 0 : i32
        %dma_wait3A_93 = tpu.memref_slice %arg10[%dma_wait3A_91, %dma_wait3A_92] : memref<5120x128xf32, #tpu.memory_space<vmem_shared>> -> memref<5120x128xf32, #tpu.memory_space<vmem_shared>>
        tpu.wait_indirect_dma semaphore(%run_scoped3A_81 : memref<!tpu.dma_semaphore, #tpu.memory_space<semaphore_mem>>) src(%arg8 : memref<80x128xf32, #tpu.memory_space<vmem>>) dst(%dma_wait3A_93 : memref<5120x128xf32, #tpu.memory_space<vmem_shared>>)
        tpu.yield
      }) : () -> ()
      %scan3A_80 = arith.constant 0 : i32
      scf.yield %scan3A_80 : i32
    }
    %scan3A_59 = arith.constant 125 : i32
    %barrier3A_60 = arith.constant 0 : index
    tpu.barrier barrier_id(%barrier3A_60)
    %mul3A_61 = arith.constant 320 : i32
    %mul3A_62 = arith.muli %arg1, %mul3A_61 : i32
    %mul3A_63 = arith.constant 320 : i32
    %mul3A_64 = arith.muli %arg1, %mul3A_63 : i32
    "tpu.region"() ({
      %run_scoped3A_65 = tpu.sem_alloc : memref<!tpu.dma_semaphore, #tpu.memory_space<semaphore_mem>>
      %dma_start3A = arith.constant 0 : i32
      %dma_start3A_66 = tpu.memref_slice %arg5[%arg0, %mul3A_64, %dma_start3A] : memref<2x5120x128xf32, #tpu.memory_space<hbm>> -> memref<1x320x128xf32, #tpu.memory_space<hbm>>
      %dma_start3A_67 = tpu.memref_squeeze %dma_start3A_66 : memref<1x320x128xf32, #tpu.memory_space<hbm>> -> memref<320x128xf32, #tpu.memory_space<hbm>>
      %dma_start3A_68 = arith.constant 0 : i32
      %dma_start3A_69 = tpu.memref_slice %arg10[%mul3A_62, %dma_start3A_68] : memref<5120x128xf32, #tpu.memory_space<vmem_shared>> -> memref<320x128xf32, #tpu.memory_space<vmem_shared>>
      tpu.enqueue_dma source(%dma_start3A_69 : memref<320x128xf32, #tpu.memory_space<vmem_shared>>) target(%dma_start3A_67 : memref<320x128xf32, #tpu.memory_space<hbm>>) target_semaphore(%run_scoped3A_65 : memref<!tpu.dma_semaphore, #tpu.memory_space<semaphore_mem>>)
      %dma_wait3A = arith.constant 0 : i32
      %dma_wait3A_70 = tpu.memref_slice %arg5[%arg0, %mul3A_64, %dma_wait3A] : memref<2x5120x128xf32, #tpu.memory_space<hbm>> -> memref<1x320x128xf32, #tpu.memory_space<hbm>>
      %dma_wait3A_71 = tpu.memref_squeeze %dma_wait3A_70 : memref<1x320x128xf32, #tpu.memory_space<hbm>> -> memref<320x128xf32, #tpu.memory_space<hbm>>
      %dma_wait3A_72 = arith.constant 0 : i32
      %dma_wait3A_73 = tpu.memref_slice %arg10[%mul3A_62, %dma_wait3A_72] : memref<5120x128xf32, #tpu.memory_space<vmem_shared>> -> memref<320x128xf32, #tpu.memory_space<vmem_shared>>
      tpu.wait_dma2 semaphore(%run_scoped3A_65 : memref<!tpu.dma_semaphore, #tpu.memory_space<semaphore_mem>>) src(%dma_wait3A_73 : memref<320x128xf32, #tpu.memory_space<vmem_shared>>) dst(%dma_wait3A_71 : memref<320x128xf32, #tpu.memory_space<hbm>>)
      tpu.yield
    }) : () -> ()
    return
  }
}

module attributes {stable_mosaic.version = 14 : i64} {
  func.func @_scale_body(%arg0: i32, %arg1: memref<1000x128xf32, #tpu.memory_space<vmem>>, %arg2: memref<128x128xf32, #tpu.memory_space<vmem>>, %arg3: memref<2x1000x1xf32, #tpu.memory_space<vmem>>, %arg4: memref<1000x128xf32, #tpu.memory_space<vmem>>, %arg5: memref<1000x1xf32, #tpu.memory_space<vmem>>) attributes {dimension_semantics = [#tpu.dimension_semantics<arbitrary>], iteration_bounds = array<i64: 10>, scalar_prefetch = 0 : i64, scratch_operands = 0 : i64, tpu.core_type = #tpu.core_type<tc>, window_params = [{transform_indices = @transform_0, window_bounds = array<i64: 1000, 128>}, {pipeline_mode = #tpu.pipeline_mode<synchronous>, transform_indices = @transform_1, window_bounds = array<i64: 128, 128>}, {transform_indices = @transform_2, window_bounds = array<i64: 2, 1000, 1>}, {transform_indices = @transform_3, window_bounds = array<i64: 1000, 128>}, {transform_indices = @transform_4, window_bounds = array<i64: 1000, 1>}]} {
    %get3A = arith.constant 0 : index
    %get3A_0 = arith.constant 0 : index
    %get3A_1 = arith.constant 0 : index
    %get3A_2 = vector.load %arg3[%get3A, %get3A_0, %get3A_1] : memref<2x1000x1xf32, #tpu.memory_space<vmem>>, vector<1x1000x1xf32>
    %get3A_3 = vector.shape_cast %get3A_2 : vector<1x1000x1xf32> to vector<1000x1xf32>
    %get3A_4 = arith.constant 1 : index
    %get3A_5 = arith.constant 0 : index
    %get3A_6 = arith.constant 0 : index
    %get3A_7 = vector.load %arg3[%get3A_4, %get3A_5, %get3A_6] : memref<2x1000x1xf32, #tpu.memory_space<vmem>>, vector<1x1000x1xf32>
    %get3A_8 = vector.shape_cast %get3A_7 : vector<1x1000x1xf32> to vector<1000x1xf32>
    %add3A = arith.addf %get3A_3, %get3A_8 : vector<1000x1xf32>
    %add3A_9 = arith.constant 1.000000e+00 : f32
    %add3A_10 = vector.broadcast %add3A_9 : f32 to vector<1000x1xf32>
    %add3A_11 = arith.addf %add3A, %add3A_10 : vector<1000x1xf32>
    %rsqrt3A = math.rsqrt %add3A_11 : vector<1000x1xf32>
    %get3A_12 = arith.constant 0 : index
    %get3A_13 = arith.constant 0 : index
    %get3A_14 = vector.load %arg1[%get3A_12, %get3A_13] : memref<1000x128xf32, #tpu.memory_space<vmem>>, vector<1000x128xf32>
    %get3A_15 = arith.constant 0 : index
    %get3A_16 = arith.constant 0 : index
    %get3A_17 = vector.load %arg2[%get3A_15, %get3A_16] : memref<128x128xf32, #tpu.memory_space<vmem>>, vector<128x128xf32>
    %dot_general3A = arith.constant dense<0.000000e+00> : vector<1000x128xf32>
    %dot_general3A_18 = tpu.matmul %get3A_14, %get3A_17, %dot_general3A {dimension_numbers = #tpu.dot_dimension_numbers<[1], [0], [0], [1], [0, 0, 1, 1], [], []>, transpose_lhs_hint = false} : vector<1000x128xf32>, vector<128x128xf32>, vector<1000x128xf32> -> vector<1000x128xf32>
    %mul3A = vector.broadcast %rsqrt3A : vector<1000x1xf32> to vector<1000x128xf32>
    %mul3A_19 = arith.mulf %dot_general3A_18, %mul3A : vector<1000x128xf32>
    %swap3A = arith.constant 0 : index
    %swap3A_20 = arith.constant 0 : index
    %swap3A_21 = vector.load %arg4[%swap3A, %swap3A_20] : memref<1000x128xf32, #tpu.memory_space<vmem>>, vector<1000x128xf32>
    tpu.vector_store %arg4[%swap3A, %swap3A_20], %mul3A_19 {strides = array<i32>} : memref<1000x128xf32, #tpu.memory_space<vmem>>, vector<1000x128xf32>,
    %swap3A_22 = arith.constant 0 : index
    %swap3A_23 = arith.constant 0 : index
    %swap3A_24 = vector.load %arg5[%swap3A_22, %swap3A_23] : memref<1000x1xf32, #tpu.memory_space<vmem>>, vector<1000x1xf32>
    tpu.vector_store %arg5[%swap3A_22, %swap3A_23], %rsqrt3A {strides = array<i32>} : memref<1000x1xf32, #tpu.memory_space<vmem>>, vector<1000x1xf32>,
    return
  }
  func.func @transform_0(%arg0: i32) -> (i32, i32) {
    %c0_i32 = arith.constant 0 : i32
    %c0_i32_0 = arith.constant 0 : i32
    return %arg0, %c0_i32 : i32, i32
  }
  func.func @transform_1(%arg0: i32) -> (i32, i32) {
    %c0_i32 = arith.constant 0 : i32
    %c0_i32_0 = arith.constant 0 : i32
    %c0_i32_1 = arith.constant 0 : i32
    return %c0_i32, %c0_i32_0 : i32, i32
  }
  func.func @transform_2(%arg0: i32) -> (i32, i32, i32) {
    %c0_i32 = arith.constant 0 : i32
    %c0_i32_0 = arith.constant 0 : i32
    %c0_i32_1 = arith.constant 0 : i32
    return %c0_i32, %arg0, %c0_i32_0 : i32, i32, i32
  }
  func.func @transform_3(%arg0: i32) -> (i32, i32) {
    %c0_i32 = arith.constant 0 : i32
    %c0_i32_0 = arith.constant 0 : i32
    return %arg0, %c0_i32 : i32, i32
  }
  func.func @transform_4(%arg0: i32) -> (i32, i32) {
    %c0_i32 = arith.constant 0 : i32
    %c0_i32_0 = arith.constant 0 : i32
    return %arg0, %c0_i32 : i32, i32
  }
}

module attributes {stable_mosaic.version = 14 : i64} {
  func.func @_lstm_body(%arg0: i32, %arg1: memref<1x1000x128xf32, #tpu.memory_space<vmem>>, %arg2: memref<1000x128xf32, #tpu.memory_space<vmem>>, %arg3: memref<1000x1xf32, #tpu.memory_space<vmem>>, %arg4: memref<1x128xf32, #tpu.memory_space<vmem>>, %arg5: memref<128x512xf32, #tpu.memory_space<vmem>>, %arg6: memref<128x512xf32, #tpu.memory_space<vmem>>, %arg7: memref<1x512xf32, #tpu.memory_space<vmem>>, %arg8: memref<1x128xf32, #tpu.memory_space<vmem>>, %arg9: memref<1x128xf32, #tpu.memory_space<vmem>>, %arg10: memref<1000x128xf32, #tpu.memory_space<vmem>>, %arg11: memref<1x128xf32, #tpu.memory_space<vmem>>, %arg12: memref<1x128xf32, #tpu.memory_space<vmem>>, %arg13: memref<1000x512xf32, #tpu.memory_space<vmem>>) attributes {dimension_semantics = [#tpu.dimension_semantics<arbitrary>], iteration_bounds = array<i64: 10>, scalar_prefetch = 0 : i64, scratch_operands = 1 : i64, tpu.core_type = #tpu.core_type<tc>, window_params = [{transform_indices = @transform_0, window_bounds = array<i64: 1, 1000, 128>}, {transform_indices = @transform_1, window_bounds = array<i64: 1000, 128>}, {transform_indices = @transform_2, window_bounds = array<i64: 1000, 1>}, {pipeline_mode = #tpu.pipeline_mode<synchronous>, transform_indices = @transform_3, window_bounds = array<i64: 1, 128>}, {pipeline_mode = #tpu.pipeline_mode<synchronous>, transform_indices = @transform_4, window_bounds = array<i64: 128, 512>}, {pipeline_mode = #tpu.pipeline_mode<synchronous>, transform_indices = @transform_5, window_bounds = array<i64: 128, 512>}, {pipeline_mode = #tpu.pipeline_mode<synchronous>, transform_indices = @transform_6, window_bounds = array<i64: 1, 512>}, {pipeline_mode = #tpu.pipeline_mode<synchronous>, transform_indices = @transform_7, window_bounds = array<i64: 1, 128>}, {pipeline_mode = #tpu.pipeline_mode<synchronous>, transform_indices = @transform_8, window_bounds = array<i64: 1, 128>}, {transform_indices = @transform_9, window_bounds = array<i64: 1000, 128>}, {pipeline_mode = #tpu.pipeline_mode<synchronous>, transform_indices = @transform_10, window_bounds = array<i64: 1, 128>}, {pipeline_mode = #tpu.pipeline_mode<synchronous>, transform_indices = @transform_11, window_bounds = array<i64: 1, 128>}]} {
    %eq3A = arith.constant 0 : i32
    %eq3A_0 = arith.cmpi eq, %arg0, %eq3A : i32
    %convert_element_type3A = arith.extui %eq3A_0 : i1 to i32
    %cond3A = arith.constant 0 : i32
    %cond3A_1 = arith.cmpi ne, %convert_element_type3A, %cond3A : i32
    scf.if %cond3A_1 {
      %get3A_46 = arith.constant 0 : index
      %get3A_47 = arith.constant 0 : index
      %get3A_48 = vector.load %arg8[%get3A_46, %get3A_47] : memref<1x128xf32, #tpu.memory_space<vmem>>, vector<1x128xf32>
      %swap3A_49 = arith.constant 0 : index
      %swap3A_50 = arith.constant 0 : index
      %swap3A_51 = vector.load %arg11[%swap3A_49, %swap3A_50] : memref<1x128xf32, #tpu.memory_space<vmem>>, vector<1x128xf32>
      tpu.vector_store %arg11[%swap3A_49, %swap3A_50], %get3A_48 {strides = array<i32>} : memref<1x128xf32, #tpu.memory_space<vmem>>, vector<1x128xf32>,
      %get3A_52 = arith.constant 0 : index
      %get3A_53 = arith.constant 0 : index
      %get3A_54 = vector.load %arg9[%get3A_52, %get3A_53] : memref<1x128xf32, #tpu.memory_space<vmem>>, vector<1x128xf32>
      %swap3A_55 = arith.constant 0 : index
      %swap3A_56 = arith.constant 0 : index
      %swap3A_57 = vector.load %arg12[%swap3A_55, %swap3A_56] : memref<1x128xf32, #tpu.memory_space<vmem>>, vector<1x128xf32>
      tpu.vector_store %arg12[%swap3A_55, %swap3A_56], %get3A_54 {strides = array<i32>} : memref<1x128xf32, #tpu.memory_space<vmem>>, vector<1x128xf32>,
    } else {
    }
    %get3A = arith.constant 0 : index
    %get3A_2 = arith.constant 0 : index
    %get3A_3 = arith.constant 0 : index
    %get3A_4 = vector.load %arg1[%get3A, %get3A_2, %get3A_3] : memref<1x1000x128xf32, #tpu.memory_space<vmem>>, vector<1x1000x128xf32>
    %get3A_5 = vector.shape_cast %get3A_4 : vector<1x1000x128xf32> to vector<1000x128xf32>
    %get3A_6 = arith.constant 0 : index
    %get3A_7 = arith.constant 0 : index
    %get3A_8 = vector.load %arg2[%get3A_6, %get3A_7] : memref<1000x128xf32, #tpu.memory_space<vmem>>, vector<1000x128xf32>
    %add3A = arith.addf %get3A_5, %get3A_8 : vector<1000x128xf32>
    %get3A_9 = arith.constant 0 : index
    %get3A_10 = arith.constant 0 : index
    %get3A_11 = vector.load %arg3[%get3A_9, %get3A_10] : memref<1000x1xf32, #tpu.memory_space<vmem>>, vector<1000x1xf32>
    %mul3A = vector.broadcast %get3A_11 : vector<1000x1xf32> to vector<1000x128xf32>
    %mul3A_12 = arith.mulf %add3A, %mul3A : vector<1000x128xf32>
    %get3A_13 = arith.constant 0 : index
    %get3A_14 = arith.constant 0 : index
    %get3A_15 = vector.load %arg4[%get3A_13, %get3A_14] : memref<1x128xf32, #tpu.memory_space<vmem>>, vector<1x128xf32>
    %add3A_16 = vector.broadcast %get3A_15 : vector<1x128xf32> to vector<1000x128xf32>
    %add3A_17 = arith.addf %mul3A_12, %add3A_16 : vector<1000x128xf32>
    %get3A_18 = arith.constant 0 : index
    %get3A_19 = arith.constant 0 : index
    %get3A_20 = vector.load %arg5[%get3A_18, %get3A_19] : memref<128x512xf32, #tpu.memory_space<vmem>>, vector<128x512xf32>
    %dot_general3A = arith.constant dense<0.000000e+00> : vector<1000x512xf32>
    %dot_general3A_21 = tpu.matmul %add3A_17, %get3A_20, %dot_general3A {dimension_numbers = #tpu.dot_dimension_numbers<[1], [0], [0], [1], [0, 0, 1, 1], [], []>, transpose_lhs_hint = false} : vector<1000x128xf32>, vector<128x512xf32>, vector<1000x512xf32> -> vector<1000x512xf32>
    %get3A_22 = arith.constant 0 : index
    %get3A_23 = arith.constant 0 : index
    %get3A_24 = vector.load %arg7[%get3A_22, %get3A_23] : memref<1x512xf32, #tpu.memory_space<vmem>>, vector<1x512xf32>
    %add3A_25 = vector.broadcast %get3A_24 : vector<1x512xf32> to vector<1000x512xf32>
    %add3A_26 = arith.addf %dot_general3A_21, %add3A_25 : vector<1000x512xf32>
    %swap3A = arith.constant 0 : index
    %swap3A_27 = arith.constant 0 : index
    %swap3A_28 = vector.load %arg13[%swap3A, %swap3A_27] : memref<1000x512xf32, #tpu.memory_space<vmem>>, vector<1000x512xf32>
    tpu.vector_store %arg13[%swap3A, %swap3A_27], %add3A_26 {strides = array<i32>} : memref<1000x512xf32, #tpu.memory_space<vmem>>, vector<1000x512xf32>,
    %get3A_29 = arith.constant 0 : index
    %get3A_30 = arith.constant 0 : index
    %get3A_31 = vector.load %arg11[%get3A_29, %get3A_30] : memref<1x128xf32, #tpu.memory_space<vmem>>, vector<1x128xf32>
    %get3A_32 = arith.constant 0 : index
    %get3A_33 = arith.constant 0 : index
    %get3A_34 = vector.load %arg12[%get3A_32, %get3A_33] : memref<1x128xf32, #tpu.memory_space<vmem>>, vector<1x128xf32>
    %scan3A = arith.constant 0 : i32
    %scan3A_35 = arith.constant 125 : i32
    %scan3A_36 = arith.addi %scan3A, %scan3A_35 : i32
    %scan3A_37 = arith.constant 1 : i32
    %scan3A_38:2 = scf.for %scan3A_46 = %scan3A to %scan3A_36 step %scan3A_37 iter_args(%scan3A_47 = %get3A_31, %scan3A_48 = %get3A_34) -> (vector<1x128xf32>, vector<1x128xf32>)  : i32 {
      %mul3A_49 = arith.constant 8 : i32
      %mul3A_50 = arith.muli %scan3A_46, %mul3A_49 : i32
      %get3A_51 = arith.index_cast %mul3A_50 : i32 to index
      %get3A_52 = arith.constant 0 : index
      %get3A_53 = vector.load %arg13[%get3A_51, %get3A_52] : memref<1000x512xf32, #tpu.memory_space<vmem>>, vector<8x512xf32>
      %slice3A = vector.extract_strided_slice %get3A_53 {offsets = [0, 0], sizes = [1, 512], strides = [1, 1]} : vector<8x512xf32> to vector<1x512xf32>
      %get3A_54 = arith.constant 0 : index
      %get3A_55 = arith.constant 0 : index
      %get3A_56 = vector.load %arg6[%get3A_54, %get3A_55] : memref<128x512xf32, #tpu.memory_space<vmem>>, vector<128x512xf32>
      %dot_general3A_57 = arith.constant dense<0.000000e+00> : vector<1x512xf32>
      %dot_general3A_58 = tpu.matmul %scan3A_47, %get3A_56, %dot_general3A_57 {dimension_numbers = #tpu.dot_dimension_numbers<[1], [0], [0], [1], [0, 0, 1, 1], [], []>, transpose_lhs_hint = false} : vector<1x128xf32>, vector<128x512xf32>, vector<1x512xf32> -> vector<1x512xf32>
      %add3A_59 = arith.addf %slice3A, %dot_general3A_58 : vector<1x512xf32>
      %logistic3A = arith.negf %add3A_59 : vector<1x512xf32>
      %logistic3A_60 = math.exp %logistic3A : vector<1x512xf32>
      %logistic3A_61 = arith.constant 1.000000e+00 : f32
      %logistic3A_62 = vector.broadcast %logistic3A_61 : f32 to vector<1x512xf32>
      %logistic3A_63 = arith.addf %logistic3A_62, %logistic3A_60 : vector<1x512xf32>
      %logistic3A_64 = arith.divf %logistic3A_62, %logistic3A_63 : vector<1x512xf32>
      %slice3A_65 = vector.extract_strided_slice %logistic3A_64 {offsets = [0, 0], sizes = [1, 128], strides = [1, 1]} : vector<1x512xf32> to vector<1x128xf32>
      %slice3A_66 = vector.extract_strided_slice %logistic3A_64 {offsets = [0, 128], sizes = [1, 128], strides = [1, 1]} : vector<1x512xf32> to vector<1x128xf32>
      %slice3A_67 = vector.extract_strided_slice %logistic3A_64 {offsets = [0, 256], sizes = [1, 128], strides = [1, 1]} : vector<1x512xf32> to vector<1x128xf32>
      %mul3A_68 = arith.constant 2.000000e+00 : f32
      %mul3A_69 = vector.broadcast %mul3A_68 : f32 to vector<1x128xf32>
      %mul3A_70 = arith.mulf %mul3A_69, %slice3A_67 : vector<1x128xf32>
      %sub3A = arith.constant 1.000000e+00 : f32
      %sub3A_71 = vector.broadcast %sub3A : f32 to vector<1x128xf32>
      %sub3A_72 = arith.subf %mul3A_70, %sub3A_71 : vector<1x128xf32>
      %slice3A_73 = vector.extract_strided_slice %logistic3A_64 {offsets = [0, 384], sizes = [1, 128], strides = [1, 1]} : vector<1x512xf32> to vector<1x128xf32>
      %mul3A_74 = arith.mulf %slice3A_66, %scan3A_48 : vector<1x128xf32>
      %mul3A_75 = arith.mulf %slice3A_65, %sub3A_72 : vector<1x128xf32>
      %add3A_76 = arith.addf %mul3A_74, %mul3A_75 : vector<1x128xf32>
      %tanh3A = math.tanh %add3A_76 : vector<1x128xf32>
      %mul3A_77 = arith.mulf %slice3A_73, %tanh3A : vector<1x128xf32>
      %slice3A_78 = vector.extract_strided_slice %get3A_53 {offsets = [1, 0], sizes = [1, 512], strides = [1, 1]} : vector<8x512xf32> to vector<1x512xf32>
      %get3A_79 = arith.constant 0 : index
      %get3A_80 = arith.constant 0 : index
      %get3A_81 = vector.load %arg6[%get3A_79, %get3A_80] : memref<128x512xf32, #tpu.memory_space<vmem>>, vector<128x512xf32>
      %dot_general3A_82 = arith.constant dense<0.000000e+00> : vector<1x512xf32>
      %dot_general3A_83 = tpu.matmul %mul3A_77, %get3A_81, %dot_general3A_82 {dimension_numbers = #tpu.dot_dimension_numbers<[1], [0], [0], [1], [0, 0, 1, 1], [], []>, transpose_lhs_hint = false} : vector<1x128xf32>, vector<128x512xf32>, vector<1x512xf32> -> vector<1x512xf32>
      %add3A_84 = arith.addf %slice3A_78, %dot_general3A_83 : vector<1x512xf32>
      %logistic3A_85 = arith.negf %add3A_84 : vector<1x512xf32>
      %logistic3A_86 = math.exp %logistic3A_85 : vector<1x512xf32>
      %logistic3A_87 = arith.constant 1.000000e+00 : f32
      %logistic3A_88 = vector.broadcast %logistic3A_87 : f32 to vector<1x512xf32>
      %logistic3A_89 = arith.addf %logistic3A_88, %logistic3A_86 : vector<1x512xf32>
      %logistic3A_90 = arith.divf %logistic3A_88, %logistic3A_89 : vector<1x512xf32>
      %slice3A_91 = vector.extract_strided_slice %logistic3A_90 {offsets = [0, 0], sizes = [1, 128], strides = [1, 1]} : vector<1x512xf32> to vector<1x128xf32>
      %slice3A_92 = vector.extract_strided_slice %logistic3A_90 {offsets = [0, 128], sizes = [1, 128], strides = [1, 1]} : vector<1x512xf32> to vector<1x128xf32>
      %slice3A_93 = vector.extract_strided_slice %logistic3A_90 {offsets = [0, 256], sizes = [1, 128], strides = [1, 1]} : vector<1x512xf32> to vector<1x128xf32>
      %mul3A_94 = arith.constant 2.000000e+00 : f32
      %mul3A_95 = vector.broadcast %mul3A_94 : f32 to vector<1x128xf32>
      %mul3A_96 = arith.mulf %mul3A_95, %slice3A_93 : vector<1x128xf32>
      %sub3A_97 = arith.constant 1.000000e+00 : f32
      %sub3A_98 = vector.broadcast %sub3A_97 : f32 to vector<1x128xf32>
      %sub3A_99 = arith.subf %mul3A_96, %sub3A_98 : vector<1x128xf32>
      %slice3A_100 = vector.extract_strided_slice %logistic3A_90 {offsets = [0, 384], sizes = [1, 128], strides = [1, 1]} : vector<1x512xf32> to vector<1x128xf32>
      %mul3A_101 = arith.mulf %slice3A_92, %add3A_76 : vector<1x128xf32>
      %mul3A_102 = arith.mulf %slice3A_91, %sub3A_99 : vector<1x128xf32>
      %add3A_103 = arith.addf %mul3A_101, %mul3A_102 : vector<1x128xf32>
      %tanh3A_104 = math.tanh %add3A_103 : vector<1x128xf32>
      %mul3A_105 = arith.mulf %slice3A_100, %tanh3A_104 : vector<1x128xf32>
      %slice3A_106 = vector.extract_strided_slice %get3A_53 {offsets = [2, 0], sizes = [1, 512], strides = [1, 1]} : vector<8x512xf32> to vector<1x512xf32>
      %get3A_107 = arith.constant 0 : index
      %get3A_108 = arith.constant 0 : index
      %get3A_109 = vector.load %arg6[%get3A_107, %get3A_108] : memref<128x512xf32, #tpu.memory_space<vmem>>, vector<128x512xf32>
      %dot_general3A_110 = arith.constant dense<0.000000e+00> : vector<1x512xf32>
      %dot_general3A_111 = tpu.matmul %mul3A_105, %get3A_109, %dot_general3A_110 {dimension_numbers = #tpu.dot_dimension_numbers<[1], [0], [0], [1], [0, 0, 1, 1], [], []>, transpose_lhs_hint = false} : vector<1x128xf32>, vector<128x512xf32>, vector<1x512xf32> -> vector<1x512xf32>
      %add3A_112 = arith.addf %slice3A_106, %dot_general3A_111 : vector<1x512xf32>
      %logistic3A_113 = arith.negf %add3A_112 : vector<1x512xf32>
      %logistic3A_114 = math.exp %logistic3A_113 : vector<1x512xf32>
      %logistic3A_115 = arith.constant 1.000000e+00 : f32
      %logistic3A_116 = vector.broadcast %logistic3A_115 : f32 to vector<1x512xf32>
      %logistic3A_117 = arith.addf %logistic3A_116, %logistic3A_114 : vector<1x512xf32>
      %logistic3A_118 = arith.divf %logistic3A_116, %logistic3A_117 : vector<1x512xf32>
      %slice3A_119 = vector.extract_strided_slice %logistic3A_118 {offsets = [0, 0], sizes = [1, 128], strides = [1, 1]} : vector<1x512xf32> to vector<1x128xf32>
      %slice3A_120 = vector.extract_strided_slice %logistic3A_118 {offsets = [0, 128], sizes = [1, 128], strides = [1, 1]} : vector<1x512xf32> to vector<1x128xf32>
      %slice3A_121 = vector.extract_strided_slice %logistic3A_118 {offsets = [0, 256], sizes = [1, 128], strides = [1, 1]} : vector<1x512xf32> to vector<1x128xf32>
      %mul3A_122 = arith.constant 2.000000e+00 : f32
      %mul3A_123 = vector.broadcast %mul3A_122 : f32 to vector<1x128xf32>
      %mul3A_124 = arith.mulf %mul3A_123, %slice3A_121 : vector<1x128xf32>
      %sub3A_125 = arith.constant 1.000000e+00 : f32
      %sub3A_126 = vector.broadcast %sub3A_125 : f32 to vector<1x128xf32>
      %sub3A_127 = arith.subf %mul3A_124, %sub3A_126 : vector<1x128xf32>
      %slice3A_128 = vector.extract_strided_slice %logistic3A_118 {offsets = [0, 384], sizes = [1, 128], strides = [1, 1]} : vector<1x512xf32> to vector<1x128xf32>
      %mul3A_129 = arith.mulf %slice3A_120, %add3A_103 : vector<1x128xf32>
      %mul3A_130 = arith.mulf %slice3A_119, %sub3A_127 : vector<1x128xf32>
      %add3A_131 = arith.addf %mul3A_129, %mul3A_130 : vector<1x128xf32>
      %tanh3A_132 = math.tanh %add3A_131 : vector<1x128xf32>
      %mul3A_133 = arith.mulf %slice3A_128, %tanh3A_132 : vector<1x128xf32>
      %slice3A_134 = vector.extract_strided_slice %get3A_53 {offsets = [3, 0], sizes = [1, 512], strides = [1, 1]} : vector<8x512xf32> to vector<1x512xf32>
      %get3A_135 = arith.constant 0 : index
      %get3A_136 = arith.constant 0 : index
      %get3A_137 = vector.load %arg6[%get3A_135, %get3A_136] : memref<128x512xf32, #tpu.memory_space<vmem>>, vector<128x512xf32>
      %dot_general3A_138 = arith.constant dense<0.000000e+00> : vector<1x512xf32>
      %dot_general3A_139 = tpu.matmul %mul3A_133, %get3A_137, %dot_general3A_138 {dimension_numbers = #tpu.dot_dimension_numbers<[1], [0], [0], [1], [0, 0, 1, 1], [], []>, transpose_lhs_hint = false} : vector<1x128xf32>, vector<128x512xf32>, vector<1x512xf32> -> vector<1x512xf32>
      %add3A_140 = arith.addf %slice3A_134, %dot_general3A_139 : vector<1x512xf32>
      %logistic3A_141 = arith.negf %add3A_140 : vector<1x512xf32>
      %logistic3A_142 = math.exp %logistic3A_141 : vector<1x512xf32>
      %logistic3A_143 = arith.constant 1.000000e+00 : f32
      %logistic3A_144 = vector.broadcast %logistic3A_143 : f32 to vector<1x512xf32>
      %logistic3A_145 = arith.addf %logistic3A_144, %logistic3A_142 : vector<1x512xf32>
      %logistic3A_146 = arith.divf %logistic3A_144, %logistic3A_145 : vector<1x512xf32>
      %slice3A_147 = vector.extract_strided_slice %logistic3A_146 {offsets = [0, 0], sizes = [1, 128], strides = [1, 1]} : vector<1x512xf32> to vector<1x128xf32>
      %slice3A_148 = vector.extract_strided_slice %logistic3A_146 {offsets = [0, 128], sizes = [1, 128], strides = [1, 1]} : vector<1x512xf32> to vector<1x128xf32>
      %slice3A_149 = vector.extract_strided_slice %logistic3A_146 {offsets = [0, 256], sizes = [1, 128], strides = [1, 1]} : vector<1x512xf32> to vector<1x128xf32>
      %mul3A_150 = arith.constant 2.000000e+00 : f32
      %mul3A_151 = vector.broadcast %mul3A_150 : f32 to vector<1x128xf32>
      %mul3A_152 = arith.mulf %mul3A_151, %slice3A_149 : vector<1x128xf32>
      %sub3A_153 = arith.constant 1.000000e+00 : f32
      %sub3A_154 = vector.broadcast %sub3A_153 : f32 to vector<1x128xf32>
      %sub3A_155 = arith.subf %mul3A_152, %sub3A_154 : vector<1x128xf32>
      %slice3A_156 = vector.extract_strided_slice %logistic3A_146 {offsets = [0, 384], sizes = [1, 128], strides = [1, 1]} : vector<1x512xf32> to vector<1x128xf32>
      %mul3A_157 = arith.mulf %slice3A_148, %add3A_131 : vector<1x128xf32>
      %mul3A_158 = arith.mulf %slice3A_147, %sub3A_155 : vector<1x128xf32>
      %add3A_159 = arith.addf %mul3A_157, %mul3A_158 : vector<1x128xf32>
      %tanh3A_160 = math.tanh %add3A_159 : vector<1x128xf32>
      %mul3A_161 = arith.mulf %slice3A_156, %tanh3A_160 : vector<1x128xf32>
      %slice3A_162 = vector.extract_strided_slice %get3A_53 {offsets = [4, 0], sizes = [1, 512], strides = [1, 1]} : vector<8x512xf32> to vector<1x512xf32>
      %get3A_163 = arith.constant 0 : index
      %get3A_164 = arith.constant 0 : index
      %get3A_165 = vector.load %arg6[%get3A_163, %get3A_164] : memref<128x512xf32, #tpu.memory_space<vmem>>, vector<128x512xf32>
      %dot_general3A_166 = arith.constant dense<0.000000e+00> : vector<1x512xf32>
      %dot_general3A_167 = tpu.matmul %mul3A_161, %get3A_165, %dot_general3A_166 {dimension_numbers = #tpu.dot_dimension_numbers<[1], [0], [0], [1], [0, 0, 1, 1], [], []>, transpose_lhs_hint = false} : vector<1x128xf32>, vector<128x512xf32>, vector<1x512xf32> -> vector<1x512xf32>
      %add3A_168 = arith.addf %slice3A_162, %dot_general3A_167 : vector<1x512xf32>
      %logistic3A_169 = arith.negf %add3A_168 : vector<1x512xf32>
      %logistic3A_170 = math.exp %logistic3A_169 : vector<1x512xf32>
      %logistic3A_171 = arith.constant 1.000000e+00 : f32
      %logistic3A_172 = vector.broadcast %logistic3A_171 : f32 to vector<1x512xf32>
      %logistic3A_173 = arith.addf %logistic3A_172, %logistic3A_170 : vector<1x512xf32>
      %logistic3A_174 = arith.divf %logistic3A_172, %logistic3A_173 : vector<1x512xf32>
      %slice3A_175 = vector.extract_strided_slice %logistic3A_174 {offsets = [0, 0], sizes = [1, 128], strides = [1, 1]} : vector<1x512xf32> to vector<1x128xf32>
      %slice3A_176 = vector.extract_strided_slice %logistic3A_174 {offsets = [0, 128], sizes = [1, 128], strides = [1, 1]} : vector<1x512xf32> to vector<1x128xf32>
      %slice3A_177 = vector.extract_strided_slice %logistic3A_174 {offsets = [0, 256], sizes = [1, 128], strides = [1, 1]} : vector<1x512xf32> to vector<1x128xf32>
      %mul3A_178 = arith.constant 2.000000e+00 : f32
      %mul3A_179 = vector.broadcast %mul3A_178 : f32 to vector<1x128xf32>
      %mul3A_180 = arith.mulf %mul3A_179, %slice3A_177 : vector<1x128xf32>
      %sub3A_181 = arith.constant 1.000000e+00 : f32
      %sub3A_182 = vector.broadcast %sub3A_181 : f32 to vector<1x128xf32>
      %sub3A_183 = arith.subf %mul3A_180, %sub3A_182 : vector<1x128xf32>
      %slice3A_184 = vector.extract_strided_slice %logistic3A_174 {offsets = [0, 384], sizes = [1, 128], strides = [1, 1]} : vector<1x512xf32> to vector<1x128xf32>
      %mul3A_185 = arith.mulf %slice3A_176, %add3A_159 : vector<1x128xf32>
      %mul3A_186 = arith.mulf %slice3A_175, %sub3A_183 : vector<1x128xf32>
      %add3A_187 = arith.addf %mul3A_185, %mul3A_186 : vector<1x128xf32>
      %tanh3A_188 = math.tanh %add3A_187 : vector<1x128xf32>
      %mul3A_189 = arith.mulf %slice3A_184, %tanh3A_188 : vector<1x128xf32>
      %slice3A_190 = vector.extract_strided_slice %get3A_53 {offsets = [5, 0], sizes = [1, 512], strides = [1, 1]} : vector<8x512xf32> to vector<1x512xf32>
      %get3A_191 = arith.constant 0 : index
      %get3A_192 = arith.constant 0 : index
      %get3A_193 = vector.load %arg6[%get3A_191, %get3A_192] : memref<128x512xf32, #tpu.memory_space<vmem>>, vector<128x512xf32>
      %dot_general3A_194 = arith.constant dense<0.000000e+00> : vector<1x512xf32>
      %dot_general3A_195 = tpu.matmul %mul3A_189, %get3A_193, %dot_general3A_194 {dimension_numbers = #tpu.dot_dimension_numbers<[1], [0], [0], [1], [0, 0, 1, 1], [], []>, transpose_lhs_hint = false} : vector<1x128xf32>, vector<128x512xf32>, vector<1x512xf32> -> vector<1x512xf32>
      %add3A_196 = arith.addf %slice3A_190, %dot_general3A_195 : vector<1x512xf32>
      %logistic3A_197 = arith.negf %add3A_196 : vector<1x512xf32>
      %logistic3A_198 = math.exp %logistic3A_197 : vector<1x512xf32>
      %logistic3A_199 = arith.constant 1.000000e+00 : f32
      %logistic3A_200 = vector.broadcast %logistic3A_199 : f32 to vector<1x512xf32>
      %logistic3A_201 = arith.addf %logistic3A_200, %logistic3A_198 : vector<1x512xf32>
      %logistic3A_202 = arith.divf %logistic3A_200, %logistic3A_201 : vector<1x512xf32>
      %slice3A_203 = vector.extract_strided_slice %logistic3A_202 {offsets = [0, 0], sizes = [1, 128], strides = [1, 1]} : vector<1x512xf32> to vector<1x128xf32>
      %slice3A_204 = vector.extract_strided_slice %logistic3A_202 {offsets = [0, 128], sizes = [1, 128], strides = [1, 1]} : vector<1x512xf32> to vector<1x128xf32>
      %slice3A_205 = vector.extract_strided_slice %logistic3A_202 {offsets = [0, 256], sizes = [1, 128], strides = [1, 1]} : vector<1x512xf32> to vector<1x128xf32>
      %mul3A_206 = arith.constant 2.000000e+00 : f32
      %mul3A_207 = vector.broadcast %mul3A_206 : f32 to vector<1x128xf32>
      %mul3A_208 = arith.mulf %mul3A_207, %slice3A_205 : vector<1x128xf32>
      %sub3A_209 = arith.constant 1.000000e+00 : f32
      %sub3A_210 = vector.broadcast %sub3A_209 : f32 to vector<1x128xf32>
      %sub3A_211 = arith.subf %mul3A_208, %sub3A_210 : vector<1x128xf32>
      %slice3A_212 = vector.extract_strided_slice %logistic3A_202 {offsets = [0, 384], sizes = [1, 128], strides = [1, 1]} : vector<1x512xf32> to vector<1x128xf32>
      %mul3A_213 = arith.mulf %slice3A_204, %add3A_187 : vector<1x128xf32>
      %mul3A_214 = arith.mulf %slice3A_203, %sub3A_211 : vector<1x128xf32>
      %add3A_215 = arith.addf %mul3A_213, %mul3A_214 : vector<1x128xf32>
      %tanh3A_216 = math.tanh %add3A_215 : vector<1x128xf32>
      %mul3A_217 = arith.mulf %slice3A_212, %tanh3A_216 : vector<1x128xf32>
      %slice3A_218 = vector.extract_strided_slice %get3A_53 {offsets = [6, 0], sizes = [1, 512], strides = [1, 1]} : vector<8x512xf32> to vector<1x512xf32>
      %get3A_219 = arith.constant 0 : index
      %get3A_220 = arith.constant 0 : index
      %get3A_221 = vector.load %arg6[%get3A_219, %get3A_220] : memref<128x512xf32, #tpu.memory_space<vmem>>, vector<128x512xf32>
      %dot_general3A_222 = arith.constant dense<0.000000e+00> : vector<1x512xf32>
      %dot_general3A_223 = tpu.matmul %mul3A_217, %get3A_221, %dot_general3A_222 {dimension_numbers = #tpu.dot_dimension_numbers<[1], [0], [0], [1], [0, 0, 1, 1], [], []>, transpose_lhs_hint = false} : vector<1x128xf32>, vector<128x512xf32>, vector<1x512xf32> -> vector<1x512xf32>
      %add3A_224 = arith.addf %slice3A_218, %dot_general3A_223 : vector<1x512xf32>
      %logistic3A_225 = arith.negf %add3A_224 : vector<1x512xf32>
      %logistic3A_226 = math.exp %logistic3A_225 : vector<1x512xf32>
      %logistic3A_227 = arith.constant 1.000000e+00 : f32
      %logistic3A_228 = vector.broadcast %logistic3A_227 : f32 to vector<1x512xf32>
      %logistic3A_229 = arith.addf %logistic3A_228, %logistic3A_226 : vector<1x512xf32>
      %logistic3A_230 = arith.divf %logistic3A_228, %logistic3A_229 : vector<1x512xf32>
      %slice3A_231 = vector.extract_strided_slice %logistic3A_230 {offsets = [0, 0], sizes = [1, 128], strides = [1, 1]} : vector<1x512xf32> to vector<1x128xf32>
      %slice3A_232 = vector.extract_strided_slice %logistic3A_230 {offsets = [0, 128], sizes = [1, 128], strides = [1, 1]} : vector<1x512xf32> to vector<1x128xf32>
      %slice3A_233 = vector.extract_strided_slice %logistic3A_230 {offsets = [0, 256], sizes = [1, 128], strides = [1, 1]} : vector<1x512xf32> to vector<1x128xf32>
      %mul3A_234 = arith.constant 2.000000e+00 : f32
      %mul3A_235 = vector.broadcast %mul3A_234 : f32 to vector<1x128xf32>
      %mul3A_236 = arith.mulf %mul3A_235, %slice3A_233 : vector<1x128xf32>
      %sub3A_237 = arith.constant 1.000000e+00 : f32
      %sub3A_238 = vector.broadcast %sub3A_237 : f32 to vector<1x128xf32>
      %sub3A_239 = arith.subf %mul3A_236, %sub3A_238 : vector<1x128xf32>
      %slice3A_240 = vector.extract_strided_slice %logistic3A_230 {offsets = [0, 384], sizes = [1, 128], strides = [1, 1]} : vector<1x512xf32> to vector<1x128xf32>
      %mul3A_241 = arith.mulf %slice3A_232, %add3A_215 : vector<1x128xf32>
      %mul3A_242 = arith.mulf %slice3A_231, %sub3A_239 : vector<1x128xf32>
      %add3A_243 = arith.addf %mul3A_241, %mul3A_242 : vector<1x128xf32>
      %tanh3A_244 = math.tanh %add3A_243 : vector<1x128xf32>
      %mul3A_245 = arith.mulf %slice3A_240, %tanh3A_244 : vector<1x128xf32>
      %slice3A_246 = vector.extract_strided_slice %get3A_53 {offsets = [7, 0], sizes = [1, 512], strides = [1, 1]} : vector<8x512xf32> to vector<1x512xf32>
      %get3A_247 = arith.constant 0 : index
      %get3A_248 = arith.constant 0 : index
      %get3A_249 = vector.load %arg6[%get3A_247, %get3A_248] : memref<128x512xf32, #tpu.memory_space<vmem>>, vector<128x512xf32>
      %dot_general3A_250 = arith.constant dense<0.000000e+00> : vector<1x512xf32>
      %dot_general3A_251 = tpu.matmul %mul3A_245, %get3A_249, %dot_general3A_250 {dimension_numbers = #tpu.dot_dimension_numbers<[1], [0], [0], [1], [0, 0, 1, 1], [], []>, transpose_lhs_hint = false} : vector<1x128xf32>, vector<128x512xf32>, vector<1x512xf32> -> vector<1x512xf32>
      %add3A_252 = arith.addf %slice3A_246, %dot_general3A_251 : vector<1x512xf32>
      %logistic3A_253 = arith.negf %add3A_252 : vector<1x512xf32>
      %logistic3A_254 = math.exp %logistic3A_253 : vector<1x512xf32>
      %logistic3A_255 = arith.constant 1.000000e+00 : f32
      %logistic3A_256 = vector.broadcast %logistic3A_255 : f32 to vector<1x512xf32>
      %logistic3A_257 = arith.addf %logistic3A_256, %logistic3A_254 : vector<1x512xf32>
      %logistic3A_258 = arith.divf %logistic3A_256, %logistic3A_257 : vector<1x512xf32>
      %slice3A_259 = vector.extract_strided_slice %logistic3A_258 {offsets = [0, 0], sizes = [1, 128], strides = [1, 1]} : vector<1x512xf32> to vector<1x128xf32>
      %slice3A_260 = vector.extract_strided_slice %logistic3A_258 {offsets = [0, 128], sizes = [1, 128], strides = [1, 1]} : vector<1x512xf32> to vector<1x128xf32>
      %slice3A_261 = vector.extract_strided_slice %logistic3A_258 {offsets = [0, 256], sizes = [1, 128], strides = [1, 1]} : vector<1x512xf32> to vector<1x128xf32>
      %mul3A_262 = arith.constant 2.000000e+00 : f32
      %mul3A_263 = vector.broadcast %mul3A_262 : f32 to vector<1x128xf32>
      %mul3A_264 = arith.mulf %mul3A_263, %slice3A_261 : vector<1x128xf32>
      %sub3A_265 = arith.constant 1.000000e+00 : f32
      %sub3A_266 = vector.broadcast %sub3A_265 : f32 to vector<1x128xf32>
      %sub3A_267 = arith.subf %mul3A_264, %sub3A_266 : vector<1x128xf32>
      %slice3A_268 = vector.extract_strided_slice %logistic3A_258 {offsets = [0, 384], sizes = [1, 128], strides = [1, 1]} : vector<1x512xf32> to vector<1x128xf32>
      %mul3A_269 = arith.mulf %slice3A_260, %add3A_243 : vector<1x128xf32>
      %mul3A_270 = arith.mulf %slice3A_259, %sub3A_267 : vector<1x128xf32>
      %add3A_271 = arith.addf %mul3A_269, %mul3A_270 : vector<1x128xf32>
      %tanh3A_272 = math.tanh %add3A_271 : vector<1x128xf32>
      %mul3A_273 = arith.mulf %slice3A_268, %tanh3A_272 : vector<1x128xf32>
      %concatenate3A = tpu.concatenate %mul3A_77, %mul3A_105, %mul3A_133, %mul3A_161, %mul3A_189, %mul3A_217, %mul3A_245, %mul3A_273 in 0 : vector<1x128xf32>, vector<1x128xf32>, vector<1x128xf32>, vector<1x128xf32>, vector<1x128xf32>, vector<1x128xf32>, vector<1x128xf32>, vector<1x128xf32> -> vector<8x128xf32>
      %swap3A_274 = arith.index_cast %mul3A_50 : i32 to index
      %swap3A_275 = arith.constant 0 : index
      %swap3A_276 = vector.load %arg10[%swap3A_274, %swap3A_275] : memref<1000x128xf32, #tpu.memory_space<vmem>>, vector<8x128xf32>
      tpu.vector_store %arg10[%swap3A_274, %swap3A_275], %concatenate3A {strides = array<i32>} : memref<1000x128xf32, #tpu.memory_space<vmem>>, vector<8x128xf32>,
      scf.yield %mul3A_273, %add3A_271 : vector<1x128xf32>, vector<1x128xf32>
    }
    %scan3A_39 = arith.constant 125 : i32
    %swap3A_40 = arith.constant 0 : index
    %swap3A_41 = arith.constant 0 : index
    %swap3A_42 = vector.load %arg11[%swap3A_40, %swap3A_41] : memref<1x128xf32, #tpu.memory_space<vmem>>, vector<1x128xf32>
    tpu.vector_store %arg11[%swap3A_40, %swap3A_41], %scan3A_38#0 {strides = array<i32>} : memref<1x128xf32, #tpu.memory_space<vmem>>, vector<1x128xf32>,
    %swap3A_43 = arith.constant 0 : index
    %swap3A_44 = arith.constant 0 : index
    %swap3A_45 = vector.load %arg12[%swap3A_43, %swap3A_44] : memref<1x128xf32, #tpu.memory_space<vmem>>, vector<1x128xf32>
    tpu.vector_store %arg12[%swap3A_43, %swap3A_44], %scan3A_38#1 {strides = array<i32>} : memref<1x128xf32, #tpu.memory_space<vmem>>, vector<1x128xf32>,
    return
  }
  func.func @transform_0(%arg0: i32) -> (i32, i32, i32) {
    %jit3A = arith.constant 5 : i32
    %div3A = arith.divsi %arg0, %jit3A : i32
    %sign3A = arith.constant 0 : i32
    %sign3A_0 = arith.cmpi sgt, %arg0, %sign3A : i32
    %sign3A_1 = arith.extui %sign3A_0 : i1 to i32
    %sign3A_2 = arith.constant 0 : i32
    %sign3A_3 = arith.cmpi slt, %arg0, %sign3A_2 : i32
    %sign3A_4 = arith.extui %sign3A_3 : i1 to i32
    %sign3A_5 = arith.subi %sign3A_1, %sign3A_4 : i32
    %sign3A_6 = arith.constant 0 : i32
    %sign3A_7 = arith.cmpi sgt, %jit3A, %sign3A_6 : i32
    %sign3A_8 = arith.extui %sign3A_7 : i1 to i32
    %sign3A_9 = arith.constant 0 : i32
    %sign3A_10 = arith.cmpi slt, %jit3A, %sign3A_9 : i32
    %sign3A_11 = arith.extui %sign3A_10 : i1 to i32
    %sign3A_12 = arith.subi %sign3A_8, %sign3A_11 : i32
    %ne3A = arith.cmpi ne, %sign3A_5, %sign3A_12 : i32
    %rem3A = arith.remsi %arg0, %jit3A : i32
    %ne3A_13 = arith.constant 0 : i32
    %ne3A_14 = arith.cmpi ne, %rem3A, %ne3A_13 : i32
    %and3A = arith.andi %ne3A, %ne3A_14 : i1
    %sub3A = arith.constant 1 : i32
    %sub3A_15 = arith.subi %div3A, %sub3A : i32
    %select_n3A = arith.select %and3A, %sub3A_15, %div3A : i32
    %jit3A_16 = arith.constant 5 : i32
    %eq3A = arith.constant 0 : i32
    %eq3A_17 = arith.cmpi eq, %jit3A_16, %eq3A : i32
    %jit3A_18 = arith.constant 1 : i32
    %select_n3A_19 = arith.select %eq3A_17, %jit3A_18, %jit3A_16 : i32
    %rem3A_20 = arith.remsi %arg0, %select_n3A_19 : i32
    %ne3A_21 = arith.constant 0 : i32
    %ne3A_22 = arith.cmpi ne, %rem3A_20, %ne3A_21 : i32
    %lt3A = arith.constant 0 : i32
    %lt3A_23 = arith.cmpi slt, %rem3A_20, %lt3A : i32
    %lt3A_24 = arith.constant 0 : i32
    %lt3A_25 = arith.cmpi slt, %select_n3A_19, %lt3A_24 : i32
    %ne3A_26 = arith.xori %lt3A_23, %lt3A_25 : i1
    %and3A_27 = arith.andi %ne3A_26, %ne3A_22 : i1
    %add3A = arith.addi %rem3A_20, %select_n3A_19 : i32
    %select_n3A_28 = arith.select %and3A_27, %add3A, %rem3A_20 : i32
    %c0_i32 = arith.constant 0 : i32
    %c0_i32_29 = arith.constant 0 : i32
    return %select_n3A, %select_n3A_28, %c0_i32 : i32, i32, i32
  }
  func.func @transform_1(%arg0: i32) -> (i32, i32) {
    %c0_i32 = arith.constant 0 : i32
    %c0_i32_0 = arith.constant 0 : i32
    return %arg0, %c0_i32 : i32, i32
  }
  func.func @transform_2(%arg0: i32) -> (i32, i32) {
    %c0_i32 = arith.constant 0 : i32
    %c0_i32_0 = arith.constant 0 : i32
    return %arg0, %c0_i32 : i32, i32
  }
  func.func @transform_3(%arg0: i32) -> (i32, i32) {
    %c0_i32 = arith.constant 0 : i32
    %c0_i32_0 = arith.constant 0 : i32
    %c0_i32_1 = arith.constant 0 : i32
    return %c0_i32, %c0_i32_0 : i32, i32
  }
  func.func @transform_4(%arg0: i32) -> (i32, i32) {
    %c0_i32 = arith.constant 0 : i32
    %c0_i32_0 = arith.constant 0 : i32
    %c0_i32_1 = arith.constant 0 : i32
    return %c0_i32, %c0_i32_0 : i32, i32
  }
  func.func @transform_5(%arg0: i32) -> (i32, i32) {
    %c0_i32 = arith.constant 0 : i32
    %c0_i32_0 = arith.constant 0 : i32
    %c0_i32_1 = arith.constant 0 : i32
    return %c0_i32, %c0_i32_0 : i32, i32
  }
  func.func @transform_6(%arg0: i32) -> (i32, i32) {
    %c0_i32 = arith.constant 0 : i32
    %c0_i32_0 = arith.constant 0 : i32
    %c0_i32_1 = arith.constant 0 : i32
    return %c0_i32, %c0_i32_0 : i32, i32
  }
  func.func @transform_7(%arg0: i32) -> (i32, i32) {
    %c0_i32 = arith.constant 0 : i32
    %c0_i32_0 = arith.constant 0 : i32
    %c0_i32_1 = arith.constant 0 : i32
    return %c0_i32, %c0_i32_0 : i32, i32
  }
  func.func @transform_8(%arg0: i32) -> (i32, i32) {
    %c0_i32 = arith.constant 0 : i32
    %c0_i32_0 = arith.constant 0 : i32
    %c0_i32_1 = arith.constant 0 : i32
    return %c0_i32, %c0_i32_0 : i32, i32
  }
  func.func @transform_9(%arg0: i32) -> (i32, i32) {
    %c0_i32 = arith.constant 0 : i32
    %c0_i32_0 = arith.constant 0 : i32
    return %arg0, %c0_i32 : i32, i32
  }
  func.func @transform_10(%arg0: i32) -> (i32, i32) {
    %c0_i32 = arith.constant 0 : i32
    %c0_i32_0 = arith.constant 0 : i32
    %c0_i32_1 = arith.constant 0 : i32
    return %c0_i32, %c0_i32_0 : i32, i32
  }
  func.func @transform_11(%arg0: i32) -> (i32, i32) {
    %c0_i32 = arith.constant 0 : i32
    %c0_i32_0 = arith.constant 0 : i32
    %c0_i32_1 = arith.constant 0 : i32
    return %c0_i32, %c0_i32_0 : i32, i32
  }
}

</mosaic_0001>

<sc_bundles>
// kernel: kernel.6.cloned.1.call-start
scs
__scs_entry_jumppad:
0x0: {  	(pc) =	sbr.rel $0x88, $3  }
0x1: {  	(tag) =	ssettag $0x0;
	lr =	simm.s32 $0x1  }
0x2: {  	[smem:$0x3F97] =	sst lr;
	_ =	strace $0xD0000000  }
0x3: {  	_ = 	snop  }
0x4: {  	_ = 	snop  }
0x5: {  	_ = 	snop  }
0x6: {  	_ = 	snop  }
0x7: {  	_ = 	snop  }
__scs_overlays_trampoline_lowered:
0x8: {  	[smem:$0x3FA6] =	sst s0  }
0x9: {  	[smem:$0x3FA7] =	sst s1  }
0xa: {  	[smem:$0x3FA8] =	sst s2  }
0xb: {  	[smem:$0x3FA9] =	sst s3  }
0xc: {  	[smem:$0x3FAA] =	sst s4  }
0xd: {  	[smem:$0x3FAB] =	sst s5  }
0xe: {  	[smem:$0x3FAC] =	sst s6  }
0xf: {  	[smem:$0x3FAD] =	sst s7  }
0x10: {  	[smem:$0x3FAE] =	sst s8  }
0x11: {  	[smem:$0x3FAF] =	sst s9;
	s0 =	simm.s32 @!p0 $0x0  }
0x12: {  	s1 =	sld [smem:$0x3F95];
	s0 =	simm.s32 @p0 $0x1  }
0x13: {  	[smem:$0x3FB0] =	sst s0;
	s0 =	simm.s32 @!p1 $0x0  }
0x14: {  	s2 =	sld [smem:$0x3F94];
	s0 =	simm.s32 @p1 $0x1  }
0x15: {  	[smem:$0x3FB1] =	sst s0;
	s0 =	simm.s32 @!p2 $0x0  }
0x16: {  	s3 =	sld [smem:$0x3FDB];
	s0 =	simm.s32 @p2 $0x1  }
0x17: {  	s4 =	simm.s32 $0x1BF5;
	[smem:$0x3FB3] =	sst s0  }
0x18: {  	s0 =	sld [smem:$0x3F96];
	_ =	swait.ge [sflag:s4], $0x0  }
0x19: {  	s7 =	sld [smem:$0x3F97]  }
0x1a: {  	s8 =	sadd.s32 $0xFFFFE003, lr  }
0x1b: {  	s9 =	sadd.s32 $0xFFFFFEF7, lr;
	s5 =	simm.s32 $0xFFFFFFFF;
	p2 =	slt.u32 s8, $0xFFFFF086  }
0x1c: {  	p1 =	slt.u32 s9, $0xF7A;
	s5 =	simm.s32 @!p2 $0x0  }
0x1d: {  	s5 =	simm.s32 @p1 $0x1;
	p0 =	seq.s32 s7, s2  }
0x1e: {  	s7 =	smul.u32 @!p0 $0xF7A, s2;
	p2 =	seq.s32 @!p0 s5, $0x0  }
0x1f: {  	s9 =	smul.u32 $0xF7A, s1;
	s8 =	simm.s32 @!p0 $0x1BF5;
	p2 =	por !p2, p0  }
0x20: {  	[sflag:s8] =	ssyncset.s32 @!p0 $0xFFFFF086;
	s6 =	sadd.s32 @!p0 s3, s7;
	s7 =	simm.s32 @!p0 $0x108  }
0x21: {  	s3 =	sadd.s32 s3, s9;
	s6 =	sadd.s32 @!p0 $0x88, s6;
	s7 =	simm.s32 @p2 $0x1082  }
0x22: {  	[simem:s7], [sflag:s8] =	dma.local @!p0 [hbm:s6], $0xF7A  }
0x23: {  	s9 =	sor.u32 $0xD0000000, s2;
	s6 =	simm.s32 $0x108;
	_ =	swait.ge @!p0 [sflag:s8], $0x0  }
0x24: {  	s3 =	sadd.s32 $0x88, s3;
	s6 =	simm.s32 @!p1 $0x1082;
	[sflag:s4] =	ssyncset.s32 $0xFFFFF086  }
0x25: {  	[simem:s6], [sflag:s4] =	dma.local [hbm:s3], $0xF7A  }
0x26: {  	[smem:$0x3F97] =	sst s1;
	(tag) =	ssettag s2;
	_ =	strace s9  }
0x27: {  	s1 =	sld [smem:$0x3FA7]  }
0x28: {  	s2 =	sld [smem:$0x3FA8]  }
0x29: {  	s4 =	sld [smem:$0x3FAA]  }
0x2a: {  	p0 =	seq.s32 s5, $0x0;
	s5 =	sld [smem:$0x3FAB]  }
0x2b: {  	s6 =	sld [smem:$0x3FAC]  }
0x2c: {  	s7 =	sld [smem:$0x3FAD]  }
0x2d: {  	s3 =	simm.s32 $0x108;
	s8 =	sld [smem:$0x3FAE]  }
0x2e: {  	s3 =	simm.s32 @!p0 $0x1082;
	s9 =	sld [smem:$0x3FAF]  }
0x2f: {  	lr =	sadd.s32 s0, s3;
	s0 =	sld [smem:$0x3FA6]  }
0x30: {  	s3 =	sld [smem:$0x3FA9]  }
0x31: {  	[smem:$0x3FB2] =	sst s10  }
0x32: {  	s10 =	sld [smem:$0x3FB0];
	_ =	sdelay $0x3  }
0x33: {  	p0 =	seq.s32 s10, $0x1;
	s10 =	sld [smem:$0x3FB2];
	_ =	sdelay $0x3  }
0x34: {  	[smem:$0x3FB2] =	sst s10  }
0x35: {  	s10 =	sld [smem:$0x3FB1];
	_ =	sdelay $0x3  }
0x36: {  	p1 =	seq.s32 s10, $0x1;
	s10 =	sld [smem:$0x3FB2];
	_ =	sdelay $0x3  }
0x37: {  	[smem:$0x3FB2] =	sst s10  }
0x38: {  	s10 =	sld [smem:$0x3FB3]  }
0x39: {  	_ = 	snop;
	(pc) =	sbr.ind lr, $3  }
0x3a: {  	_ = 	snop  }
0x3b: {  	_ = 	snop  }
0x3c: {  	p2 =	seq.s32 s10, $0x1;
	s10 =	sld [smem:$0x3FB2]  }
0x3d: {  	_ =	shalt  }
0x3e: {  	_ =	shalt  }
0x3f: {  	_ =	shalt  }
0x40: {  	_ =	shalt  }
0x41: {  	_ =	shalt  }
0x42: {  	_ =	shalt  }
0x43: {  	_ =	shalt  }
0x44: {  	_ =	shalt  }
0x45: {  	_ =	shalt  }
0x46: {  	_ =	shalt  }
0x47: {  	_ =	shalt  }
0x48: {  	_ =	shalt  }
0x49: {  	_ =	shalt  }
0x4a: {  	_ =	shalt  }
0x4b: {  	_ =	shalt  }
0x4c: {  	_ =	shalt  }
0x4d: {  	_ =	shalt  }
0x4e: {  	_ =	shalt  }
0x4f: {  	_ =	shalt  }
0x50: {  	_ =	shalt  }
0x51: {  	_ =	shalt  }
0x52: {  	_ =	shalt  }
0x53: {  	_ =	shalt  }
0x54: {  	_ =	shalt  }
0x55: {  	_ =	shalt  }
0x56: {  	_ =	shalt  }
0x57: {  	_ =	shalt  }
0x58: {  	_ =	shalt  }
0x59: {  	_ =	shalt  }
0x5a: {  	_ =	shalt  }
0x5b: {  	_ =	shalt  }
0x5c: {  	_ =	shalt  }
0x5d: {  	_ =	shalt  }
0x5e: {  	_ =	shalt  }
0x5f: {  	_ =	shalt  }
0x60: {  	_ =	shalt  }
0x61: {  	_ =	shalt  }
0x62: {  	_ =	shalt  }
0x63: {  	_ =	shalt  }
0x64: {  	_ =	shalt  }
0x65: {  	_ =	shalt  }
0x66: {  	_ =	shalt  }
0x67: {  	_ =	shalt  }
0x68: {  	_ =	shalt  }
0x69: {  	_ =	shalt  }
0x6a: {  	_ =	shalt  }
0x6b: {  	_ =	shalt  }
0x6c: {  	_ =	shalt  }
0x6d: {  	_ =	shalt  }
0x6e: {  	_ =	shalt  }
0x6f: {  	_ =	shalt  }
0x70: {  	_ =	shalt  }
0x71: {  	_ =	shalt  }
0x72: {  	_ =	shalt  }
0x73: {  	_ =	shalt  }
0x74: {  	_ =	shalt  }
0x75: {  	_ =	shalt  }
0x76: {  	_ =	shalt  }
0x77: {  	_ =	shalt  }
0x78: {  	_ =	shalt  }
0x79: {  	_ =	shalt  }
0x7a: {  	_ =	shalt  }
0x7b: {  	_ =	shalt  }
0x7c: {  	_ =	shalt  }
0x7d: {  	_ =	shalt  }
0x7e: {  	_ =	shalt  }
0x7f: {  	_ =	shalt  }
0x80: {  	_ =	shalt  }
0x81: {  	_ =	shalt  }
0x82: {  	_ =	shalt  }
0x83: {  	_ =	shalt  }
0x84: {  	_ =	shalt  }
0x85: {  	_ =	shalt  }
0x86: {  	_ =	shalt  }
0x87: {  	_ =	shalt  }
.Lfunc_end0:
.L_simem_size_0:
called_computation_lowered:
.L_overlay_start_0:
0x88: {  	s2 =	sld [smem:$0x3FD9]  }
0x89: {  	s3 =	sld [smem:$0x3FFE];
	_ =	sdelay $0x1  }
0x8a: {  	s1 =	srdreg.scid  }
0x8b: {  	s0 =	sand.u32 $0x1, s1  }
0x8c: {  	s14 =	sshll.u32 s0, $0xA;
	s2 =	sadd.s32 s3, s2  }
0x8d: {  	s2 =	sadd.s32 s2, s14  }
0x8e: {  	[smem:$0x3FBE] =	sst s2  }
0x8f: {  	_ = 	snop  }
0x90: {  	s2 =	sld [smem:$0x3FD0];
	_ =	sdelay $0x2  }
0x91: {  	s15 =	simm.s32 $0xA;
	s4 =	simm.s32 $0x10  }
0x92: {  	[smem:s4], [sflag:s15] =	dma.local [hbm:s2], $0x1  }
0x93: {  	_ =	swait.eq [sflag:s15], $0x1  }
0x94: {  	[sflag:s15] =	ssyncset.done $0x0  }
0x95: {  	[sflag:s15] =	ssyncadd.s32 $0xFFFFFFFF  }
0x96: {  	s16 =	sld [smem:$0x10];
	(tm) =	ssettm $0x1  }
0x97: {  	s17 =	sld [smem:$0x3FFB];
	_ =	sdelay $0x3  }
0x98: {  	_ =	strace s17  }
0x99: {  	s3 =	sld [smem:$0x3FFC];
	_ =	sdelay $0x3  }
0x9a: {  	_ =	strace s3  }
0x9b: {  	s3 =	sld [smem:$0x3FFD];
	_ =	sdelay $0x3  }
0x9c: {  	_ =	strace s3  }
0x9d: {  	_ =	strace $0x8FFFFFFF  }
0x9e: {  	s18 =	sld [smem:$0x3FDB];
	_ =	sdelay $0x1  }
0x9f: {  	s19 =	simm.s32 $_scs_section_size  }
0xa0: {  	s5 =	simm.s32 $_size__tile_overlayer_lowered;
	s6 =	simm.s32 $_tile_overlayer_lowered  }
0xa1: {  	s22 =	simm.s32 $0x1BFF;
	s21 =	sshll.u32 s6, $0x1;
	s3 =	sadd.s32 s19, s18  }
0xa2: {  	s7 =	simm.s32 $0x0;
	s20 =	sshll.u32 s5, $0x1;
	s5 =	sadd.s32 s21, s3  }
0xa3: {  	[timem:s7], [sflag:s22] =	dma.local [hbm:s5], s20  }
0xa4: {  	_ =	swait.ge [sflag:s22], s20  }
0xa5: {  	s4 =	ssub.s32 $0x0, s20;
	[sflag:s22] =	ssyncset.done $0x0  }
0xa6: {  	[sflag:s22] =	ssyncadd.s32 s4;
	_ =	sdelay $0x1  }
0xa7: {  	s23 =	simm.s32 $0x1B8B  }
0xa8: {  	_ =	swait.ge [sflag:s23], $0x1  }
0xa9: {  	[sflag:s23] =	ssyncset.done $0x0  }
0xaa: {  	s25 =	simm.s32 $0x1B8E;
	s24 =	sld [smem:$0x3FFE];
	[sflag:s23] =	ssyncadd.s32 $0xFFFFFFFF  }
0xab: {  	s26 =	simm.s32 $execute0_lowered;
	[smem:$0x3FD2] =	sst s25  }
0xac: {  	s5 =	sshll.u32 s26, $0x1;
	_ =	strace $0x80000046;
	[dreg:$0x1] =	wrdreg $0xFFFFFFFF  }
0xad: {  	s28 =	simm.s32 $_size_execute0_lowered;
	s3 =	sadd.s32 s3, s5;
	[dreg:$0x0] =	wrdreg $0x0  }
0xae: {  	s5 =	sshll.u32 s28, $0x1;
	[dreg:$0x2] =	wrdreg s3  }
0xaf: {  	[dreg:$0x3] =	wrdreg s5  }
0xb0: {  	[dreg:$0x4] =	wrdreg $0xC0  }
0xb1: {  	_ =	task [dreg:s7], $0x5FFFF  }
0xb2: {  	[dreg:$0x1] =	wrdreg $0xFFFFFFFF  }
0xb3: {  	[dreg:$0x0] =	wrdreg $0x60  }
0xb4: {  	[dreg:$0x2] =	wrdreg s24  }
0xb5: {  	[dreg:$0x3] =	wrdreg s16  }
0xb6: {  	[dreg:$0x4] =	wrdreg $0x43000  }
0xb7: {  	[dreg:$0x5] =	wrdreg $0x9  }
0xb8: {  	_ =	task.clear_ibuf [dreg:s7], $0x6FFFF;
	_ =	strace $0x90000046  }
0xb9: {  	s29 =	simm.s32 $0x9;
	_ =	strace $0x80000048  }
0xba: {  	_ =	swait.ge [sflag:s29], $0x1  }
0xbb: {  	[sflag:s29] =	ssyncadd.s32 $0xFFFFFFFF  }
0xbc: {  	_ =	strace $0x90000048  }
0xbd: {  	_ =	sfence  }
0xbe: {  	s30 =	sld [smem:$0x0];
	_ =	sdelay $0x2  }
0xbf: {  	s31 =	sshll.u32 s1, $0xD;
	s1 =	sshrl.u32 s1, $0x2  }
0xc0: {  	s3 =	sand.u32 $0x4000, s31;
	s1 =	sadd.s32 s1, s30  }
0xc1: {  	s0 =	sor.u32 s3, s0;
	s1 =	sshll.u32 s1, $0x11  }
0xc2: {  	s0 =	sor.u32 s1, s0  }
0xc3: {  	s0 =	sadd.s32 $0x8F2B, s0  }
0xc4: {  	[sflag:s0] =	ssyncadd.remote.s32 $0x1  }
0xc5: {  	_ =	sfence.sel $0xFFFF  }
0xc6: {  	[dreg:$0x0] =	wrdreg $0xFFFFFFFF;
	(pc) =	sbr.abs _section_cstart, $3  }
0xc7: {  	[dreg:$0x1] =	wrdreg $0xFFFFFFFF  }
0xc8: {  	_ =	task.clear_ibuf [dreg:s7], $0x2FFFF;
	_ =	strace $0x9FFFFFFF  }
0xc9: {  	(tm) =	ssettm $0x7FFFFFFF  }
tec
execute0_lowered:
.L_overlay_start_1:
0x0: {  	(tag) =	ssettag $0x1  }
0x1: {  	s4 =	rddreg [dreg:$0x0]  }
0x2: {  	s6 =	rddreg [dreg:$0x1]  }
0x3: {  	s1 =	rddreg [dreg:$0x2]  }
0x4: {  	s0 =	rddreg [dreg:$0x3]  }
0x5: {  	s3 =	simm.s32 $0x0;
	s5 =	srdreg.scid;
	s2 =	stileid.u32  }
0x6: {  	s11 =	simm.s32 $0x4000;
	s14 =	simm.s32 $0x20;
	s15 =	simm.s32 $0x10  }
0x7: {  	s16 =	simm.s32 $0x0;
	[smem:$0x7FF] =	sst s3;
	s9 =	smul.u32 $0xA00, s2  }
0x8: {  	s5 =	sand.u32 $0x1, s5;
	s7 =	sshll.u32 s2, $0xB;
	s10 =	smul.u32 $0x500, s2  }
0x9: {  	s12 =	sshll.u32 s2, $0x6;
	_ =	strace $0x80000047;
	s8 =	ssub.s32 $0x2, s5  }
0xa: {  	s4 =	sadd.s32 s7, s4;
	s30 =	sshll.u32 s5, $0xF;
	s5 =	sshll.u32 s5, $0x7  }
0xb: {  	s12 =	sor.u32 $0x1C01, s12;
	s29 =	sshrl.u32 s8, $0x1;
	s9 =	sshrl.u32 s9, $0x2  }
0xc: {  	s10 =	sor.u32 s5, s10;
	s7 =	ssub.s32 s8, s29;
	s8 =	sadd.s32 s30, s4  }
0xd: {  	s4 =	sadd.s32 s9, s1;
	s31 =	sshrl.u32 s10, $0x3;
	s9 =	simm.s32 $0x1  }
0xe: {  	s10 =	simm.s32 $0x50;
	s5 =	sadd.s32 $0x2A00, s8;
	s6 =	sadd.s32 s6, s31  }
0xf: {  	v0 =	vimm.f32 $1.000000000e+00;
	v1 =	vimm.f32 $0.0e+00;
	s7 =	smax.u32 s7, $0x1;
	s8 =	simm.s32 $0x4080;
	s13 =	sshrl.u32 s4, $0x3  }
.LBB2_1:
0x10: {  	[tilespmem:$0x4000] =	vst v0  }
0x11: {  	[tilespmem:$0x4010] =	vst v0  }
0x12: {  	[tilespmem:$0x4020] =	vst v0  }
0x13: {  	[tilespmem:$0x4030] =	vst v0  }
0x14: {  	[tilespmem:$0x4040] =	vst v0  }
0x15: {  	[tilespmem:$0x4080] =	vst v1  }
0x16: {  	[tilespmem:$0x4090] =	vst v1  }
0x17: {  	[tilespmem:$0x40A0] =	vst v1  }
0x18: {  	[tilespmem:$0x40B0] =	vst v1  }
0x19: {  	[tilespmem:$0x40C0] =	vst v1  }
0x1a: {  	[tilespmem:$0x40D0] =	vst v1  }
0x1b: {  	[tilespmem:$0x40E0] =	vst v1  }
0x1c: {  	[tilespmem:$0x40F0] =	vst v1  }
0x1d: {  	[tilespmem:$0x4100] =	vst v1  }
0x1e: {  	[tilespmem:$0x4110] =	vst v1  }
0x1f: {  	[tilespmem:$0x4120] =	vst v1  }
0x20: {  	[tilespmem:$0x4130] =	vst v1  }
0x21: {  	[tilespmem:$0x4140] =	vst v1  }
0x22: {  	[tilespmem:$0x4150] =	vst v1  }
0x23: {  	[tilespmem:$0x4160] =	vst v1  }
0x24: {  	[tilespmem:$0x4170] =	vst v1  }
0x25: {  	[tilespmem:$0x4180] =	vst v1  }
0x26: {  	[tilespmem:$0x4190] =	vst v1  }
0x27: {  	[tilespmem:$0x41A0] =	vst v1  }
0x28: {  	[tilespmem:$0x41B0] =	vst v1  }
0x29: {  	[tilespmem:$0x41C0] =	vst v1  }
0x2a: {  	[tilespmem:$0x41D0] =	vst v1  }
0x2b: {  	[tilespmem:$0x41E0] =	vst v1  }
0x2c: {  	[tilespmem:$0x41F0] =	vst v1  }
0x2d: {  	[tilespmem:$0x4200] =	vst v1  }
0x2e: {  	[tilespmem:$0x4210] =	vst v1  }
0x2f: {  	[tilespmem:$0x4220] =	vst v1  }
0x30: {  	[tilespmem:$0x4230] =	vst v1  }
0x31: {  	[tilespmem:$0x4240] =	vst v1  }
0x32: {  	[tilespmem:$0x4250] =	vst v1  }
0x33: {  	[tilespmem:$0x4260] =	vst v1  }
0x34: {  	[tilespmem:$0x4270] =	vst v1  }
0x35: {  	[tilespmem:$0x4280] =	vst v1  }
0x36: {  	[tilespmem:$0x4290] =	vst v1  }
0x37: {  	[tilespmem:$0x42A0] =	vst v1  }
0x38: {  	[tilespmem:$0x42B0] =	vst v1  }
0x39: {  	[tilespmem:$0x42C0] =	vst v1  }
0x3a: {  	[tilespmem:$0x42D0] =	vst v1  }
0x3b: {  	[tilespmem:$0x42E0] =	vst v1  }
0x3c: {  	[tilespmem:$0x42F0] =	vst v1  }
0x3d: {  	[spmem:s4] =	stream.linear.scatter [tilespmem:s8], [sflag:$0x1], $0x280, $0x38;
	[tilespmem:$0x4580] =	vst v63  }
0x3e: {  	_ =	swait.ge [sflag:s9], $0x280  }
0x3f: {  	[sflag:s9] =	ssyncset.done $0x0  }
0x40: {  	[sflag:s9] =	ssyncadd.s32 $0xFFFFFD80  }
0x41: {  	[tilespmem:s3], [sflag:$0x1] =	stream.linear.gather [hbm4b:s5+s3], $0x3E80, $0x38;
	[tilespmem:$0x4580] =	vst v63  }
0x42: {  	_ =	swait.ge [sflag:s9], $0x3E80  }
0x43: {  	[sflag:s9] =	ssyncset.done $0x0  }
0x44: {  	[sflag:s9] =	ssyncadd.s32 $0xFFFFC180  }
0x45: {  	s17 =	simm.s32 $0x0;
	[bflag:$0x0] =	sbarrier.arrive $0xFFFF  }
0x46: {  	[spmem:s1] =	stream.indirect.scatter.add.f32 [tilespmem:s11], [sflag:$0x1], $0x1, s17, s10, $0xb8;
	[tilespmem:$0x4580] =	vst v63  }
0x47: {  	_ =	swait.ge [sflag:s9], $0x50  }
0x48: {  	s17 =	simm.s32 $0x200;
	[sflag:s9] =	ssyncset.done $0x0  }
.LBB2_2:
0x49: {  	s18 =	sshra.s32 s17, $0x2;
	[sflag:s9] =	ssyncadd.s32 $0xFFFFFFB0;
	p0 =	sne.s32 s17, $0xF800  }
0x4a: {  	[spmem:s1] =	stream.indirect.scatter.add.f32 [tilespmem:s11], [sflag:$0x1], $0x1, s18, s10, $0xb8;
	[tilespmem:$0x4580] =	vst v63  }
.Ltmp0:
0x4b: {  	_ = 	snop;
	(pc) =	sbr.rel @p0 .LBB2_2-.Ltmp0, $4  }
0x4c: {  	_ = 	snop  }
0x4d: {  	s17 =	sadd.s32 $0x200, s17  }
0x4e: {  	_ =	swait.ge [sflag:s9], $0x50  }
0x4f: {  	[sflag:s9] =	ssyncset.done $0x0  }
0x50: {  	s16 =	sadd.s32 $0x1, s16  }
0x51: {  	[sflag:s9] =	ssyncadd.s32 $0xFFFFFFB0;
	p0 =	sne.s32 s16, s7  }
.Ltmp1:
0x52: {  	[bflag:$0x0] =	sbarrier.arrive $0xFFFF;
	(pc) =	sbr.rel @p0 .LBB2_1-.Ltmp1, $4  }
0x53: {  	[hbm:s6@s14], [sflag:s12] =	dma.strided [spmem:s13@s15], $0x50, s9, $0x10   }
0x54: {  	_ =	swait.ge [sflag:s9], $0x50  }
0x55: {  	[sflag:s9] =	ssyncset.done $0x0  }
0x56: {  	[sflag:s9] =	ssyncadd.s32 $0xFFFFFFB0  }
0x57: {  	_ =	sfence.sel $0x180000  }
0x58: {  	[bflag:$0x0] =	sbarrier.arrive $0xFFFF  }
0x59: {  	p0 =	sne.s32 s2, $0x0;
	_ =	strace $0x90000047  }
0x5a: {  	s0 =	sadd.s32 @!p0 $0x100000, s0;
	[bflag:$0x2] =	sbarrier.arrive $0xFFFF  }
0x5b: {  	[sflag:s0] =	ssyncadd.tile.s32 @!p0 $0x1;
	_ =	shalt  }
.Lfunc_end2:
_tile_overlayer_lowered:
.L_overlay_start_2:
0x5c: {  	(tag) =	ssettag $0x2  }
0x5d: {  	s0 =	rddreg [dreg:$0x0];
	s2 =	stileid.u32  }
0x5e: {  	s1 =	rddreg [dreg:$0x1];
	p0 =	sne.s32 s2, $0x0  }
0x5f: {  	s3 =	rddreg [dreg:$0x2];
	[bflag:$0x3] =	sbarrier.arrive $0xFFFF;
	s2 =	simm.s32 @!p0 $0x1C01  }
0x60: {  	[timem:s3], [sflag:s2] =	dma.local @!p0 [hbm:s0], s1  }
0x61: {  	s0 =	simm.s32 @!p0 $0x1  }
0x62: {  	_ =	swait.ge @!p0 [sflag:s0], s1  }
0x63: {  	s1 =	ssub.s32 @!p0 $0x0, s1;
	[sflag:s0] =	ssyncset.done @!p0 $0x0  }
0x64: {  	[sflag:s0] =	ssyncadd.s32 @!p0 s1  }
0x65: {  	[bflag:$0x3] =	sbarrier.arrive $0xFFFF  }
0x66: {  	_ =	shalt  }

// kernel: kernel.9.cloned.1.call-start
scs
__scs_entry_jumppad:
0x0: {  	(pc) =	sbr.rel $0x88, $3  }
0x1: {  	(tag) =	ssettag $0x0;
	lr =	simm.s32 $0x1  }
0x2: {  	[smem:$0x3F97] =	sst lr;
	_ =	strace $0xD0000000  }
0x3: {  	_ = 	snop  }
0x4: {  	_ = 	snop  }
0x5: {  	_ = 	snop  }
0x6: {  	_ = 	snop  }
0x7: {  	_ = 	snop  }
__scs_overlays_trampoline_lowered:
0x8: {  	[smem:$0x3FA6] =	sst s0  }
0x9: {  	[smem:$0x3FA7] =	sst s1  }
0xa: {  	[smem:$0x3FA8] =	sst s2  }
0xb: {  	[smem:$0x3FA9] =	sst s3  }
0xc: {  	[smem:$0x3FAA] =	sst s4  }
0xd: {  	[smem:$0x3FAB] =	sst s5  }
0xe: {  	[smem:$0x3FAC] =	sst s6  }
0xf: {  	[smem:$0x3FAD] =	sst s7  }
0x10: {  	[smem:$0x3FAE] =	sst s8  }
0x11: {  	[smem:$0x3FAF] =	sst s9;
	s0 =	simm.s32 @!p0 $0x0  }
0x12: {  	s1 =	sld [smem:$0x3F95];
	s0 =	simm.s32 @p0 $0x1  }
0x13: {  	[smem:$0x3FB0] =	sst s0;
	s0 =	simm.s32 @!p1 $0x0  }
0x14: {  	s2 =	sld [smem:$0x3F94];
	s0 =	simm.s32 @p1 $0x1  }
0x15: {  	[smem:$0x3FB1] =	sst s0;
	s0 =	simm.s32 @!p2 $0x0  }
0x16: {  	s3 =	sld [smem:$0x3FDB];
	s0 =	simm.s32 @p2 $0x1  }
0x17: {  	s4 =	simm.s32 $0x1BF5;
	[smem:$0x3FB3] =	sst s0  }
0x18: {  	s0 =	sld [smem:$0x3F96];
	_ =	swait.ge [sflag:s4], $0x0  }
0x19: {  	s7 =	sld [smem:$0x3F97]  }
0x1a: {  	s8 =	sadd.s32 $0xFFFFE003, lr  }
0x1b: {  	s9 =	sadd.s32 $0xFFFFFEF7, lr;
	s5 =	simm.s32 $0xFFFFFFFF;
	p2 =	slt.u32 s8, $0xFFFFF086  }
0x1c: {  	p1 =	slt.u32 s9, $0xF7A;
	s5 =	simm.s32 @!p2 $0x0  }
0x1d: {  	s5 =	simm.s32 @p1 $0x1;
	p0 =	seq.s32 s7, s2  }
0x1e: {  	s7 =	smul.u32 @!p0 $0xF7A, s2;
	p2 =	seq.s32 @!p0 s5, $0x0  }
0x1f: {  	s9 =	smul.u32 $0xF7A, s1;
	s8 =	simm.s32 @!p0 $0x1BF5;
	p2 =	por !p2, p0  }
0x20: {  	[sflag:s8] =	ssyncset.s32 @!p0 $0xFFFFF086;
	s6 =	sadd.s32 @!p0 s3, s7;
	s7 =	simm.s32 @!p0 $0x108  }
0x21: {  	s3 =	sadd.s32 s3, s9;
	s6 =	sadd.s32 @!p0 $0x88, s6;
	s7 =	simm.s32 @p2 $0x1082  }
0x22: {  	[simem:s7], [sflag:s8] =	dma.local @!p0 [hbm:s6], $0xF7A  }
0x23: {  	s9 =	sor.u32 $0xD0000000, s2;
	s6 =	simm.s32 $0x108;
	_ =	swait.ge @!p0 [sflag:s8], $0x0  }
0x24: {  	s3 =	sadd.s32 $0x88, s3;
	s6 =	simm.s32 @!p1 $0x1082;
	[sflag:s4] =	ssyncset.s32 $0xFFFFF086  }
0x25: {  	[simem:s6], [sflag:s4] =	dma.local [hbm:s3], $0xF7A  }
0x26: {  	[smem:$0x3F97] =	sst s1;
	(tag) =	ssettag s2;
	_ =	strace s9  }
0x27: {  	s1 =	sld [smem:$0x3FA7]  }
0x28: {  	s2 =	sld [smem:$0x3FA8]  }
0x29: {  	s4 =	sld [smem:$0x3FAA]  }
0x2a: {  	p0 =	seq.s32 s5, $0x0;
	s5 =	sld [smem:$0x3FAB]  }
0x2b: {  	s6 =	sld [smem:$0x3FAC]  }
0x2c: {  	s7 =	sld [smem:$0x3FAD]  }
0x2d: {  	s3 =	simm.s32 $0x108;
	s8 =	sld [smem:$0x3FAE]  }
0x2e: {  	s3 =	simm.s32 @!p0 $0x1082;
	s9 =	sld [smem:$0x3FAF]  }
0x2f: {  	lr =	sadd.s32 s0, s3;
	s0 =	sld [smem:$0x3FA6]  }
0x30: {  	s3 =	sld [smem:$0x3FA9]  }
0x31: {  	[smem:$0x3FB2] =	sst s10  }
0x32: {  	s10 =	sld [smem:$0x3FB0];
	_ =	sdelay $0x3  }
0x33: {  	p0 =	seq.s32 s10, $0x1;
	s10 =	sld [smem:$0x3FB2];
	_ =	sdelay $0x3  }
0x34: {  	[smem:$0x3FB2] =	sst s10  }
0x35: {  	s10 =	sld [smem:$0x3FB1];
	_ =	sdelay $0x3  }
0x36: {  	p1 =	seq.s32 s10, $0x1;
	s10 =	sld [smem:$0x3FB2];
	_ =	sdelay $0x3  }
0x37: {  	[smem:$0x3FB2] =	sst s10  }
0x38: {  	s10 =	sld [smem:$0x3FB3]  }
0x39: {  	_ = 	snop;
	(pc) =	sbr.ind lr, $3  }
0x3a: {  	_ = 	snop  }
0x3b: {  	_ = 	snop  }
0x3c: {  	p2 =	seq.s32 s10, $0x1;
	s10 =	sld [smem:$0x3FB2]  }
0x3d: {  	_ =	shalt  }
0x3e: {  	_ =	shalt  }
0x3f: {  	_ =	shalt  }
0x40: {  	_ =	shalt  }
0x41: {  	_ =	shalt  }
0x42: {  	_ =	shalt  }
0x43: {  	_ =	shalt  }
0x44: {  	_ =	shalt  }
0x45: {  	_ =	shalt  }
0x46: {  	_ =	shalt  }
0x47: {  	_ =	shalt  }
0x48: {  	_ =	shalt  }
0x49: {  	_ =	shalt  }
0x4a: {  	_ =	shalt  }
0x4b: {  	_ =	shalt  }
0x4c: {  	_ =	shalt  }
0x4d: {  	_ =	shalt  }
0x4e: {  	_ =	shalt  }
0x4f: {  	_ =	shalt  }
0x50: {  	_ =	shalt  }
0x51: {  	_ =	shalt  }
0x52: {  	_ =	shalt  }
0x53: {  	_ =	shalt  }
0x54: {  	_ =	shalt  }
0x55: {  	_ =	shalt  }
0x56: {  	_ =	shalt  }
0x57: {  	_ =	shalt  }
0x58: {  	_ =	shalt  }
0x59: {  	_ =	shalt  }
0x5a: {  	_ =	shalt  }
0x5b: {  	_ =	shalt  }
0x5c: {  	_ =	shalt  }
0x5d: {  	_ =	shalt  }
0x5e: {  	_ =	shalt  }
0x5f: {  	_ =	shalt  }
0x60: {  	_ =	shalt  }
0x61: {  	_ =	shalt  }
0x62: {  	_ =	shalt  }
0x63: {  	_ =	shalt  }
0x64: {  	_ =	shalt  }
0x65: {  	_ =	shalt  }
0x66: {  	_ =	shalt  }
0x67: {  	_ =	shalt  }
0x68: {  	_ =	shalt  }
0x69: {  	_ =	shalt  }
0x6a: {  	_ =	shalt  }
0x6b: {  	_ =	shalt  }
0x6c: {  	_ =	shalt  }
0x6d: {  	_ =	shalt  }
0x6e: {  	_ =	shalt  }
0x6f: {  	_ =	shalt  }
0x70: {  	_ =	shalt  }
0x71: {  	_ =	shalt  }
0x72: {  	_ =	shalt  }
0x73: {  	_ =	shalt  }
0x74: {  	_ =	shalt  }
0x75: {  	_ =	shalt  }
0x76: {  	_ =	shalt  }
0x77: {  	_ =	shalt  }
0x78: {  	_ =	shalt  }
0x79: {  	_ =	shalt  }
0x7a: {  	_ =	shalt  }
0x7b: {  	_ =	shalt  }
0x7c: {  	_ =	shalt  }
0x7d: {  	_ =	shalt  }
0x7e: {  	_ =	shalt  }
0x7f: {  	_ =	shalt  }
0x80: {  	_ =	shalt  }
0x81: {  	_ =	shalt  }
0x82: {  	_ =	shalt  }
0x83: {  	_ =	shalt  }
0x84: {  	_ =	shalt  }
0x85: {  	_ =	shalt  }
0x86: {  	_ =	shalt  }
0x87: {  	_ =	shalt  }
.Lfunc_end0:
.L_simem_size_0:
called_computation.1_lowered:
.L_overlay_start_0:
0x88: {  	s2 =	sld [smem:$0x3FD9]  }
0x89: {  	s3 =	sld [smem:$0x3FFE];
	_ =	sdelay $0x1  }
0x8a: {  	s1 =	srdreg.scid  }
0x8b: {  	s0 =	sand.u32 $0x1, s1  }
0x8c: {  	s14 =	sshll.u32 s0, $0xA;
	s2 =	sadd.s32 s3, s2  }
0x8d: {  	s2 =	sadd.s32 s2, s14  }
0x8e: {  	[smem:$0x3FBE] =	sst s2  }
0x8f: {  	_ = 	snop  }
0x90: {  	s2 =	sld [smem:$0x3FD0];
	_ =	sdelay $0x2  }
0x91: {  	s15 =	simm.s32 $0xA;
	s4 =	simm.s32 $0x10  }
0x92: {  	[smem:s4], [sflag:s15] =	dma.local [hbm:s2], $0x1  }
0x93: {  	_ =	swait.eq [sflag:s15], $0x1  }
0x94: {  	[sflag:s15] =	ssyncset.done $0x0  }
0x95: {  	[sflag:s15] =	ssyncadd.s32 $0xFFFFFFFF  }
0x96: {  	s16 =	sld [smem:$0x10];
	(tm) =	ssettm $0x1  }
0x97: {  	s17 =	sld [smem:$0x3FFB];
	_ =	sdelay $0x3  }
0x98: {  	_ =	strace s17  }
0x99: {  	s3 =	sld [smem:$0x3FFC];
	_ =	sdelay $0x3  }
0x9a: {  	_ =	strace s3  }
0x9b: {  	s3 =	sld [smem:$0x3FFD];
	_ =	sdelay $0x3  }
0x9c: {  	_ =	strace s3  }
0x9d: {  	_ =	strace $0x8FFFFFFF  }
0x9e: {  	s18 =	sld [smem:$0x3FDB];
	_ =	sdelay $0x1  }
0x9f: {  	s19 =	simm.s32 $_scs_section_size  }
0xa0: {  	s5 =	simm.s32 $_size__tile_overlayer_lowered;
	s6 =	simm.s32 $_tile_overlayer_lowered  }
0xa1: {  	s22 =	simm.s32 $0x1BFF;
	s21 =	sshll.u32 s6, $0x1;
	s3 =	sadd.s32 s19, s18  }
0xa2: {  	s7 =	simm.s32 $0x0;
	s20 =	sshll.u32 s5, $0x1;
	s5 =	sadd.s32 s21, s3  }
0xa3: {  	[timem:s7], [sflag:s22] =	dma.local [hbm:s5], s20  }
0xa4: {  	_ =	swait.ge [sflag:s22], s20  }
0xa5: {  	s4 =	ssub.s32 $0x0, s20;
	[sflag:s22] =	ssyncset.done $0x0  }
0xa6: {  	[sflag:s22] =	ssyncadd.s32 s4;
	_ =	sdelay $0x1  }
0xa7: {  	s23 =	simm.s32 $0x1B8B  }
0xa8: {  	_ =	swait.ge [sflag:s23], $0x1  }
0xa9: {  	[sflag:s23] =	ssyncset.done $0x0  }
0xaa: {  	s25 =	simm.s32 $0x1B8E;
	s24 =	sld [smem:$0x3FFE];
	[sflag:s23] =	ssyncadd.s32 $0xFFFFFFFF  }
0xab: {  	s26 =	simm.s32 $execute0_lowered;
	[smem:$0x3FD2] =	sst s25  }
0xac: {  	s5 =	sshll.u32 s26, $0x1;
	_ =	strace $0x80000049;
	[dreg:$0x1] =	wrdreg $0xFFFFFFFF  }
0xad: {  	s28 =	simm.s32 $_size_execute0_lowered;
	s3 =	sadd.s32 s3, s5;
	[dreg:$0x0] =	wrdreg $0x0  }
0xae: {  	s5 =	sshll.u32 s28, $0x1;
	[dreg:$0x2] =	wrdreg s3  }
0xaf: {  	[dreg:$0x3] =	wrdreg s5  }
0xb0: {  	[dreg:$0x4] =	wrdreg $0xC0  }
0xb1: {  	_ =	task [dreg:s7], $0x5FFFF  }
0xb2: {  	[dreg:$0x1] =	wrdreg $0xFFFFFFFF  }
0xb3: {  	[dreg:$0x0] =	wrdreg $0x60  }
0xb4: {  	[dreg:$0x2] =	wrdreg s16  }
0xb5: {  	[dreg:$0x3] =	wrdreg s24  }
0xb6: {  	[dreg:$0x4] =	wrdreg $0x148000  }
0xb7: {  	[dreg:$0x5] =	wrdreg $0x9  }
0xb8: {  	_ =	task.clear_ibuf [dreg:s7], $0x6FFFF;
	_ =	strace $0x90000049  }
0xb9: {  	s29 =	simm.s32 $0x9;
	_ =	strace $0x8000004B  }
0xba: {  	_ =	swait.ge [sflag:s29], $0x1  }
0xbb: {  	[sflag:s29] =	ssyncadd.s32 $0xFFFFFFFF  }
0xbc: {  	_ =	strace $0x9000004B  }
0xbd: {  	_ =	sfence  }
0xbe: {  	s30 =	sld [smem:$0x0];
	_ =	sdelay $0x2  }
0xbf: {  	s31 =	sshll.u32 s1, $0xD;
	s1 =	sshrl.u32 s1, $0x2  }
0xc0: {  	s3 =	sand.u32 $0x4000, s31;
	s1 =	sadd.s32 s1, s30  }
0xc1: {  	s0 =	sor.u32 s3, s0;
	s1 =	sshll.u32 s1, $0x11  }
0xc2: {  	s0 =	sor.u32 s1, s0  }
0xc3: {  	s0 =	sadd.s32 $0x8F2B, s0  }
0xc4: {  	[sflag:s0] =	ssyncadd.remote.s32 $0x1  }
0xc5: {  	_ =	sfence.sel $0xFFFF  }
0xc6: {  	[dreg:$0x0] =	wrdreg $0xFFFFFFFF;
	(pc) =	sbr.abs _section_cstart, $3  }
0xc7: {  	[dreg:$0x1] =	wrdreg $0xFFFFFFFF  }
0xc8: {  	_ =	task.clear_ibuf [dreg:s7], $0x2FFFF;
	_ =	strace $0x9FFFFFFF  }
0xc9: {  	(tm) =	ssettm $0x7FFFFFFF  }
tec
execute0_lowered:
.L_overlay_start_1:
0x0: {  	(tag) =	ssettag $0x1  }
0x1: {  	s0 =	rddreg [dreg:$0x0]  }
0x2: {  	s5 =	rddreg [dreg:$0x1];
	s1 =	srdreg.scid  }
0x3: {  	s3 =	rddreg [dreg:$0x2];
	s2 =	stileid.u32  }
0x4: {  	s4 =	simm.s32 $0x0;
	s16 =	simm.s32 $0x12800;
	s17 =	simm.s32 $0x2  }
0x5: {  	s18 =	simm.s32 $0x8000;
	s19 =	simm.s32 $0x4000;
	s20 =	simm.s32 $0xC000  }
0x6: {  	s22 =	simm.s32 $0x10000;
	s10 =	sand.u32 $0x1, s1;
	s1 =	rddreg [dreg:$0x3]  }
0x7: {  	s23 =	simm.s32 $0x1;
	s7 =	smul.u32 $0xA000, s2;
	[smem:$0x7FF] =	sst s4  }
0x8: {  	s8 =	sadd.s32 $0x12A00, s5;
	s9 =	smul.u32 $0x28000, s2;
	s11 =	sadd.s32 $0x2A00, s5  }
0x9: {  	s30 =	sshll.u32 s2, $0xC;
	s6 =	smul.u32 $0xA0000, s10;
	_ =	strace $0x8000004A  }
0xa: {  	s26 =	ssub.s32 $0x2, s10;
	s31 =	sor.u32 $0x800, s30;
	s21 =	smul.u32 $0x1388, s10  }
0xb: {  	s28 =	sshrl.u32 s26, $0x1;
	s29 =	sshrl.u32 s9, $0x2;
	s9 =	sadd.s32 s11, s31  }
0xc: {  	s6 =	sadd.s32 s7, s6;
	s13 =	ssub.s32 s26, s28;
	s7 =	sadd.s32 s11, s30  }
0xd: {  	v0 =	vmov s21;
	s21 =	simm.s32 $0x50;
	s6 =	sshrl.u32 s6, $0x3;
	s11 =	smax.u32 s13, $0x1  }
0xe: {  	s12 =	sadd.s32 s6, s5;
	s5 =	sadd.s32 s29, s3;
	s6 =	sadd.s32 s8, s30  }
0xf: {  	s8 =	sadd.s32 s8, s31;
	s10 =	sadd.s32 $0x22A00, s12;
	s12 =	sadd.s32 $0x2000, s5  }
0x10: {  	v1 =	vimm.f32 $0.0e+00;
	s13 =	sadd.s32 $0x4000, s5;
	s14 =	sadd.s32 $0x6000, s5;
	s15 =	sadd.s32 $0x8000, s5  }
.LBB2_1:
0x11: {  	s24 =	simm.s32 $0x0;
	s25 =	simm.s32 $0x200  }
.LBB2_2:
0x12: {  	p0 =	sne.s32 s25, $0x7E00;
	[tilespmem:s24+$0x12870] =	vst v1  }
0x13: {  	[tilespmem:s24+$0x12800] =	vst v1  }
0x14: {  	[tilespmem:s24+$0x12810] =	vst v1  }
.Ltmp0:
0x15: {  	[tilespmem:s24+$0x12820] =	vst v1;
	(pc) =	sbr.rel @p0 .LBB2_2-.Ltmp0, $4  }
0x16: {  	[tilespmem:s24+$0x12830] =	vst v1  }
0x17: {  	[tilespmem:s24+$0x12840] =	vst v1  }
0x18: {  	[tilespmem:s24+$0x12850] =	vst v1  }
0x19: {  	[tilespmem:s24+$0x12860] =	vst v1;
	s24 =	sshra.s32 s25, $0x2;
	s25 =	sadd.s32 $0x200, s25  }
0x1a: {  	[tilespmem:s24+$0x12870] =	vst v1  }
0x1b: {  	[tilespmem:s24+$0x12800] =	vst v1  }
0x1c: {  	[tilespmem:s24+$0x12810] =	vst v1  }
0x1d: {  	[tilespmem:s24+$0x12820] =	vst v1  }
0x1e: {  	[tilespmem:s24+$0x12830] =	vst v1  }
0x1f: {  	[tilespmem:s24+$0x12840] =	vst v1  }
0x20: {  	[tilespmem:s24+$0x12850] =	vst v1  }
0x21: {  	[tilespmem:s24+$0x12860] =	vst v1  }
0x22: {  	[spmem:s5] =	stream.linear.scatter [tilespmem:s16], [sflag:$0x2], $0x2000, $0x38;
	[tilespmem:$0x1E800] =	vst v63  }
0x23: {  	_ =	swait.ge [sflag:s17], $0x2000  }
0x24: {  	[sflag:s17] =	ssyncset.done $0x0  }
0x25: {  	[sflag:s17] =	ssyncadd.s32 $0xFFFFE000  }
0x26: {  	[spmem:s12] =	stream.linear.scatter [tilespmem:s16], [sflag:$0x2], $0x2000, $0x38;
	[tilespmem:$0x1E800] =	vst v63  }
0x27: {  	_ =	swait.ge [sflag:s17], $0x2000  }
0x28: {  	[sflag:s17] =	ssyncset.done $0x0  }
0x29: {  	[sflag:s17] =	ssyncadd.s32 $0xFFFFE000  }
0x2a: {  	[spmem:s13] =	stream.linear.scatter [tilespmem:s16], [sflag:$0x2], $0x2000, $0x38;
	[tilespmem:$0x1E800] =	vst v63  }
0x2b: {  	_ =	swait.ge [sflag:s17], $0x2000  }
0x2c: {  	[sflag:s17] =	ssyncset.done $0x0  }
0x2d: {  	[sflag:s17] =	ssyncadd.s32 $0xFFFFE000  }
0x2e: {  	[spmem:s14] =	stream.linear.scatter [tilespmem:s16], [sflag:$0x2], $0x2000, $0x38;
	[tilespmem:$0x1E800] =	vst v63  }
0x2f: {  	_ =	swait.ge [sflag:s17], $0x2000  }
0x30: {  	[sflag:s17] =	ssyncset.done $0x0  }
0x31: {  	[sflag:s17] =	ssyncadd.s32 $0xFFFFE000  }
0x32: {  	[spmem:s15] =	stream.linear.scatter [tilespmem:s16], [sflag:$0x2], $0x2000, $0x38;
	[tilespmem:$0x1E800] =	vst v63  }
0x33: {  	_ =	swait.ge [sflag:s17], $0x2000  }
0x34: {  	[sflag:s17] =	ssyncset.done $0x0  }
0x35: {  	s31 =	simm.s32 $0x0;
	[sflag:s17] =	ssyncadd.s32 $0xFFFFE000  }
0x36: {  	[tilespmem:s31], [sflag:$0x2] =	stream.linear.gather [hbm4b:s6+s31], $0x3E80, $0x38;
	[tilespmem:$0x1E800] =	vst v63  }
0x37: {  	_ =	swait.ge [sflag:s17], $0x3E80  }
0x38: {  	[sflag:s17] =	ssyncset.done $0x0  }
0x39: {  	[sflag:s17] =	ssyncadd.s32 $0xFFFFC180  }
0x3a: {  	[tilespmem:s18], [sflag:$0x2] =	stream.linear.gather [hbm4b:s7+s31], $0x3E80, $0x38;
	[tilespmem:$0x1E800] =	vst v63  }
0x3b: {  	_ =	swait.ge [sflag:s17], $0x3E80  }
0x3c: {  	[sflag:s17] =	ssyncset.done $0x0  }
0x3d: {  	[sflag:s17] =	ssyncadd.s32 $0xFFFFC180  }
0x3e: {  	[tilespmem:s19], [sflag:$0x2] =	stream.linear.gather [hbm4b:s8+s31], $0x3E80, $0x38;
	[tilespmem:$0x1E800] =	vst v63  }
0x3f: {  	_ =	swait.ge [sflag:s17], $0x3E80  }
0x40: {  	[sflag:s17] =	ssyncset.done $0x0  }
0x41: {  	[sflag:s17] =	ssyncadd.s32 $0xFFFFC180  }
0x42: {  	[tilespmem:s20], [sflag:$0x2] =	stream.linear.gather [hbm4b:s9+s31], $0x3E80, $0x38;
	[tilespmem:$0x1E800] =	vst v63  }
0x43: {  	_ =	swait.ge [sflag:s17], $0x3E80  }
0x44: {  	[sflag:s17] =	ssyncset.done $0x0  }
0x45: {  	s24 =	simm.s32 $0x0;
	[sflag:s17] =	ssyncadd.s32 $0xFFFFC180  }
0x46: {  	v3 =	vld [tilespmem:s24+$0x8000]  }
0x47: {  	v5 =	vld [tilespmem:s24+$0x8010]  }
0x48: {  	v4 =	vld [tilespmem:s24+$0x8020]  }
0x49: {  	s26 =	simm.s32 $0x200;
	s25 =	simm.s32 $0x0;
	v2 =	vld [tilespmem:s24+$0x8030]  }
.LBB2_4:
0x4a: {  	p0 =	sne.s32 s26, $0xF800;
	v6 =	vld [tilespmem:s25+$0x8040]  }
0x4b: {  	v3 =	vsub.s32 v3, v0  }
0x4c: {  	vm0 =	vlt.u32 v3, $0x1388;
	v5 =	vsub.s32 v5, v0  }
0x4d: {  	v3 =	vnsel vm0, $0x13EC, v3;
	vm0 =	vlt.u32 v5, $0x1388;
	v4 =	vsub.s32 v4, v0  }
.Ltmp1:
0x4e: {  	s28 =	sshra.s32 s26, $0x2;
	[tilespmem:s25+$0x8000] =	vst v3;
	v5 =	vnsel vm0, $0x13EC, v5;
	vm0 =	vlt.u32 v4, $0x1388;
	v2 =	vsub.s32 v2, v0;
	(pc) =	sbr.rel @p0 .LBB2_4-.Ltmp1, $4  }
0x4f: {  	v3 =	vld [tilespmem:s28+$0x8000];
	[tilespmem:s25+$0x8010] =	vst v5;
	v4 =	vnsel vm0, $0x13EC, v4;
	vm0 =	vlt.u32 v2, $0x1388;
	v6 =	vsub.s32 v6, v0  }
0x50: {  	v5 =	vld [tilespmem:s28+$0x8010];
	[tilespmem:s25+$0x8020] =	vst v4;
	v2 =	vnsel vm0, $0x13EC, v2;
	vm0 =	vlt.u32 v6, $0x1388  }
0x51: {  	v4 =	vld [tilespmem:s28+$0x8020];
	[tilespmem:s25+$0x8030] =	vst v2;
	v6 =	vnsel vm0, $0x13EC, v6  }
0x52: {  	s26 =	sadd.s32 $0x200, s26;
	v2 =	vld [tilespmem:s28+$0x8030];
	[tilespmem:s25+$0x8040] =	vst v6;
	s25 =	smov.u32 s28  }
0x53: {  	v6 =	vld [tilespmem:s25+$0x8040]  }
0x54: {  	v3 =	vsub.s32 v3, v0  }
0x55: {  	vm0 =	vlt.u32 v3, $0x1388;
	v5 =	vsub.s32 v5, v0  }
0x56: {  	v3 =	vnsel vm0, $0x13EC, v3;
	vm12 =	vlt.u32 v5, $0x1388;
	v4 =	vsub.s32 v4, v0  }
0x57: {  	[tilespmem:s25+$0x8000] =	vst v3;
	v3 =	vnsel vm12, $0x13EC, v5;
	vm13 =	vlt.u32 v4, $0x1388;
	v2 =	vsub.s32 v2, v0  }
0x58: {  	[tilespmem:s25+$0x8010] =	vst v3;
	v3 =	vnsel vm13, $0x13EC, v4;
	vm14 =	vlt.u32 v2, $0x1388;
	v4 =	vsub.s32 v6, v0  }
0x59: {  	[tilespmem:s25+$0x8020] =	vst v3;
	v2 =	vnsel vm14, $0x13EC, v2;
	vm15 =	vlt.u32 v4, $0x1388  }
0x5a: {  	[tilespmem:s25+$0x8030] =	vst v2;
	v2 =	vnsel vm15, $0x13EC, v4  }
0x5b: {  	[tilespmem:s25+$0x8040] =	vst v2  }
0x5c: {  	v3 =	vld [tilespmem:s24+$0xC000]  }
0x5d: {  	v5 =	vld [tilespmem:s24+$0xC010]  }
0x5e: {  	v4 =	vld [tilespmem:s24+$0xC020]  }
0x5f: {  	s25 =	simm.s32 $0x200;
	v2 =	vld [tilespmem:s24+$0xC030]  }
.LBB2_6:
0x60: {  	p0 =	sne.s32 s25, $0xF800;
	v6 =	vld [tilespmem:s24+$0xC040]  }
0x61: {  	v3 =	vsub.s32 v3, v0  }
0x62: {  	vm0 =	vlt.u32 v3, $0x1388;
	v5 =	vsub.s32 v5, v0  }
0x63: {  	v3 =	vnsel vm0, $0x13EC, v3;
	vm0 =	vlt.u32 v5, $0x1388;
	v4 =	vsub.s32 v4, v0  }
.Ltmp2:
0x64: {  	s26 =	sshra.s32 s25, $0x2;
	[tilespmem:s24+$0xC000] =	vst v3;
	v5 =	vnsel vm0, $0x13EC, v5;
	vm0 =	vlt.u32 v4, $0x1388;
	v2 =	vsub.s32 v2, v0;
	(pc) =	sbr.rel @p0 .LBB2_6-.Ltmp2, $4  }
0x65: {  	v3 =	vld [tilespmem:s26+$0xC000];
	[tilespmem:s24+$0xC010] =	vst v5;
	v4 =	vnsel vm0, $0x13EC, v4;
	vm0 =	vlt.u32 v2, $0x1388;
	v6 =	vsub.s32 v6, v0  }
0x66: {  	v5 =	vld [tilespmem:s26+$0xC010];
	[tilespmem:s24+$0xC020] =	vst v4;
	v2 =	vnsel vm0, $0x13EC, v2;
	vm0 =	vlt.u32 v6, $0x1388  }
0x67: {  	v4 =	vld [tilespmem:s26+$0xC020];
	[tilespmem:s24+$0xC030] =	vst v2;
	v6 =	vnsel vm0, $0x13EC, v6  }
0x68: {  	s25 =	sadd.s32 $0x200, s25;
	v2 =	vld [tilespmem:s26+$0xC030];
	[tilespmem:s24+$0xC040] =	vst v6;
	s24 =	smov.u32 s26  }
0x69: {  	v6 =	vld [tilespmem:s24+$0xC040]  }
0x6a: {  	v3 =	vsub.s32 v3, v0  }
0x6b: {  	vm0 =	vlt.u32 v3, $0x1388;
	v5 =	vsub.s32 v5, v0  }
0x6c: {  	v3 =	vnsel vm0, $0x13EC, v3;
	vm12 =	vlt.u32 v5, $0x1388;
	v4 =	vsub.s32 v4, v0  }
0x6d: {  	[tilespmem:s24+$0xC000] =	vst v3;
	v3 =	vnsel vm12, $0x13EC, v5;
	vm13 =	vlt.u32 v4, $0x1388;
	v2 =	vsub.s32 v2, v0  }
0x6e: {  	[tilespmem:s24+$0xC010] =	vst v3;
	v3 =	vnsel vm13, $0x13EC, v4;
	vm14 =	vlt.u32 v2, $0x1388;
	v63 =	vsub.s32 v6, v0  }
0x6f: {  	[tilespmem:s24+$0xC020] =	vst v3;
	v2 =	vnsel vm14, $0x13EC, v2;
	vm15 =	vlt.u32 v63, $0x1388  }
0x70: {  	[tilespmem:s24+$0xC030] =	vst v2;
	v2 =	vnsel vm15, $0x13EC, v63  }
0x71: {  	[tilespmem:s24+$0xC040] =	vst v2  }
0x72: {  	s30 =	simm.s32 $0x0;
	[bflag:$0x0] =	sbarrier.arrive $0xFFFF  }
0x73: {  	[tilespmem:s22], [sflag:$0x1] =	stream.indirect.gather [hbm4b:s0+s21], $0x80, s30, s21, $0xb8;
	[tilespmem:$0x1E800] =	vst v63  }
0x74: {  	_ =	swait.ge [sflag:s23], $0x2800  }
0x75: {  	[sflag:s23] =	ssyncset.done $0x0  }
0x76: {  	s31 =	simm.s32 $0x8000;
	[sflag:s23] =	ssyncadd.s32 $0xFFFFD800  }
0x77: {  	[spmem:s3] =	stream.indirect.scatter.add.f32 [tilespmem:s22], [sflag:$0x2], $0x80, s31, s21, $0xb8;
	[tilespmem:$0x1E800] =	vst v63  }
0x78: {  	_ =	swait.ge [sflag:s17], $0x2800  }
0x79: {  	s25 =	simm.s32 $0x400;
	s24 =	simm.s32 $0x200;
	[sflag:s17] =	ssyncset.done $0x0  }
.LBB2_8:
0x7a: {  	s26 =	sshra.s32 s24, $0x2  }
0x7b: {  	[sflag:s17] =	ssyncadd.s32 $0xFFFFD800;
	s24 =	smov.u32 s25;
	s28 =	sadd.s32 $0x200, s25  }
0x7c: {  	[tilespmem:s22], [sflag:$0x1] =	stream.indirect.gather [hbm4b:s0+s21], $0x80, s26, s21, $0xb8;
	[tilespmem:$0x1E800] =	vst v63  }
0x7d: {  	p0 =	sne.s32 s25, $0xF800;
	_ =	swait.ge [sflag:s23], $0x2800  }
.Ltmp3:
0x7e: {  	[sflag:s23] =	ssyncset.done $0x0;
	(pc) =	sbr.rel @p0 .LBB2_8-.Ltmp3, $4  }
0x7f: {  	s25 =	sadd.s32 $0x8000, s26;
	[sflag:s23] =	ssyncadd.s32 $0xFFFFD800  }
0x80: {  	[spmem:s3] =	stream.indirect.scatter.add.f32 [tilespmem:s22], [sflag:$0x2], $0x80, s25, s21, $0xb8;
	[tilespmem:$0x1E800] =	vst v63  }
0x81: {  	_ =	swait.ge [sflag:s17], $0x2800  }
0x82: {  	s25 =	smov.u32 s28;
	[sflag:s17] =	ssyncset.done $0x0  }
0x83: {  	s24 =	sshra.s32 s24, $0x2;
	[sflag:s17] =	ssyncadd.s32 $0xFFFFD800  }
0x84: {  	[tilespmem:s22], [sflag:$0x1] =	stream.indirect.gather [hbm4b:s0+s21], $0x80, s24, s21, $0xb8;
	[tilespmem:$0x1E800] =	vst v63  }
0x85: {  	_ =	swait.ge [sflag:s23], $0x2800  }
0x86: {  	[sflag:s23] =	ssyncset.done $0x0  }
0x87: {  	s24 =	sadd.s32 $0x8000, s24;
	[sflag:s23] =	ssyncadd.s32 $0xFFFFD800  }
0x88: {  	[spmem:s3] =	stream.indirect.scatter.add.f32 [tilespmem:s22], [sflag:$0x2], $0x80, s24, s21, $0xb8;
	[tilespmem:$0x1E800] =	vst v63  }
0x89: {  	_ =	swait.ge [sflag:s17], $0x2800  }
0x8a: {  	[sflag:s17] =	ssyncset.done $0x0  }
0x8b: {  	s30 =	simm.s32 $0x4000;
	[sflag:s17] =	ssyncadd.s32 $0xFFFFD800  }
0x8c: {  	[tilespmem:s22], [sflag:$0x1] =	stream.indirect.gather [hbm4b:s0+s21], $0x80, s30, s21, $0xb8;
	[tilespmem:$0x1E800] =	vst v63  }
0x8d: {  	_ =	swait.ge [sflag:s23], $0x2800  }
0x8e: {  	[sflag:s23] =	ssyncset.done $0x0  }
0x8f: {  	s31 =	simm.s32 $0xC000;
	[sflag:s23] =	ssyncadd.s32 $0xFFFFD800  }
0x90: {  	[spmem:s3] =	stream.indirect.scatter.add.f32 [tilespmem:s22], [sflag:$0x2], $0x80, s31, s21, $0xb8;
	[tilespmem:$0x1E800] =	vst v63  }
0x91: {  	_ =	swait.ge [sflag:s17], $0x2800  }
0x92: {  	s25 =	simm.s32 $0x400;
	s24 =	simm.s32 $0x80;
	[sflag:s17] =	ssyncset.done $0x0  }
.LBB2_10:
0x93: {  	s26 =	sadd.s32 $0x4000, s24  }
0x94: {  	[sflag:s17] =	ssyncadd.s32 $0xFFFFD800;
	s28 =	smov.u32 s25;
	s29 =	sadd.s32 $0x200, s25  }
0x95: {  	[tilespmem:s22], [sflag:$0x1] =	stream.indirect.gather [hbm4b:s0+s21], $0x80, s26, s21, $0xb8;
	[tilespmem:$0x1E800] =	vst v63  }
0x96: {  	p0 =	sne.s32 s25, $0xF800;
	_ =	swait.ge [sflag:s23], $0x2800  }
.Ltmp4:
0x97: {  	[sflag:s23] =	ssyncset.done $0x0;
	(pc) =	sbr.rel @p0 .LBB2_10-.Ltmp4, $4  }
0x98: {  	s24 =	sadd.s32 $0xC000, s24;
	[sflag:s23] =	ssyncadd.s32 $0xFFFFD800  }
0x99: {  	[spmem:s3] =	stream.indirect.scatter.add.f32 [tilespmem:s22], [sflag:$0x2], $0x80, s24, s21, $0xb8;
	[tilespmem:$0x1E800] =	vst v63  }
0x9a: {  	_ =	swait.ge [sflag:s17], $0x2800  }
0x9b: {  	s25 =	smov.u32 s29;
	s24 =	sshra.s32 s28, $0x2;
	[sflag:s17] =	ssyncset.done $0x0  }
0x9c: {  	s25 =	sadd.s32 $0x4000, s24;
	[sflag:s17] =	ssyncadd.s32 $0xFFFFD800  }
0x9d: {  	[tilespmem:s22], [sflag:$0x1] =	stream.indirect.gather [hbm4b:s0+s21], $0x80, s25, s21, $0xb8;
	[tilespmem:$0x1E800] =	vst v63  }
0x9e: {  	_ =	swait.ge [sflag:s23], $0x2800  }
0x9f: {  	[sflag:s23] =	ssyncset.done $0x0  }
0xa0: {  	s29 =	sadd.s32 $0xC000, s24;
	[sflag:s23] =	ssyncadd.s32 $0xFFFFD800  }
0xa1: {  	[spmem:s3] =	stream.indirect.scatter.add.f32 [tilespmem:s22], [sflag:$0x2], $0x80, s29, s21, $0xb8;
	[tilespmem:$0x1E800] =	vst v63  }
0xa2: {  	_ =	swait.ge [sflag:s17], $0x2800  }
0xa3: {  	s30 =	sshll.u32 s2, $0x6;
	s4 =	sadd.s32 $0x1, s4;
	[sflag:s17] =	ssyncset.done $0x0  }
0xa4: {  	s31 =	sshrl.u32 s5, $0x3;
	p0 =	sne.s32 s4, s11;
	[sflag:s17] =	ssyncadd.s32 $0xFFFFD800  }
.Ltmp5:
0xa5: {  	s24 =	sor.u32 $0x1C02, s30;
	[bflag:$0x0] =	sbarrier.arrive $0xFFFF;
	(pc) =	sbr.rel @p0 .LBB2_1-.Ltmp5, $4  }
0xa6: {  	[hbm:s10], [sflag:s24] =	dma.local [spmem:s31], $0x1400  }
0xa7: {  	_ =	swait.ge [sflag:s17], $0x1400  }
0xa8: {  	[sflag:s17] =	ssyncset.done $0x0  }
0xa9: {  	[sflag:s17] =	ssyncadd.s32 $0xFFFFEC00  }
0xaa: {  	_ =	sfence.sel $0x180000  }
0xab: {  	[bflag:$0x0] =	sbarrier.arrive $0xFFFF  }
0xac: {  	p0 =	sne.s32 s2, $0x0;
	_ =	strace $0x9000004A  }
0xad: {  	s0 =	sadd.s32 @!p0 $0x100000, s1;
	[bflag:$0x2] =	sbarrier.arrive $0xFFFF  }
0xae: {  	[sflag:s0] =	ssyncadd.tile.s32 @!p0 $0x1;
	_ =	shalt  }
.Lfunc_end2:
_tile_overlayer_lowered:
.L_overlay_start_2:
0xaf: {  	(tag) =	ssettag $0x2  }
0xb0: {  	s0 =	rddreg [dreg:$0x0];
	s2 =	stileid.u32  }
0xb1: {  	s1 =	rddreg [dreg:$0x1];
	p0 =	sne.s32 s2, $0x0  }
0xb2: {  	s3 =	rddreg [dreg:$0x2];
	[bflag:$0x3] =	sbarrier.arrive $0xFFFF;
	s2 =	simm.s32 @!p0 $0x1C02  }
0xb3: {  	[timem:s3], [sflag:s2] =	dma.local @!p0 [hbm:s0], s1  }
0xb4: {  	s0 =	simm.s32 @!p0 $0x2  }
0xb5: {  	_ =	swait.ge @!p0 [sflag:s0], s1  }
0xb6: {  	s1 =	ssub.s32 @!p0 $0x0, s1;
	[sflag:s0] =	ssyncset.done @!p0 $0x0  }
0xb7: {  	[sflag:s0] =	ssyncadd.s32 @!p0 s1  }
0xb8: {  	[bflag:$0x3] =	sbarrier.arrive $0xFFFF  }
0xb9: {  	_ =	shalt  }

</sc_bundles>
